<compile_context>
chip_gen: v7x
topology: tpu7x:2x2x1
jax: 0.10.2.dev20260603
libtpu: 0.0.44.dev20260713+nightly
codegen_flags: <defaults>
</compile_context>

<pallas_src>
import functools

import jax
import jax.numpy as jnp
from jax import lax
from jax.experimental import pallas as pl
from jax.experimental.pallas import tpu as pltpu
from jax.experimental.pallas import tpu_sc as plsc

SMOOTH = 8.0
VOCAB = 50000
Q = 512
N = 65536
D = 512

N_BLK = 2048
NW = 32
QH = Q // 2
QPW = QH // NW
CH = 4096
L = 16

LSE_BLK = 4096
LSE_STEPS = (VOCAB + LSE_BLK - 1) // LSE_BLK
TR_BLK = 2048
TR_STEPS = (VOCAB + TR_BLK - 1) // TR_BLK



def _kern_body(h_ref, c_ref, o_ref):
    h = h_ref[...]
    c = c_ref[...]
    qsq = jnp.sum(h * h, axis=1, keepdims=True)
    ksq = jnp.sum(c * c, axis=1)[None, :]
    dots = lax.dot_general(
        h.astype(jnp.bfloat16), c.astype(jnp.bfloat16),
        dimension_numbers=(((1,), (1,)), ((), ())),
        preferred_element_type=jnp.float32)
    sq = jnp.maximum(qsq + ksq - 2.0 * dots, 0.0)
    o_ref[...] = jnp.exp(jnp.sqrt(sq) * (1.0 / SMOOTH))


def _kern_matrix(h_half, cache_hiddens):
    return pl.pallas_call(
        _kern_body,
        grid=(N // N_BLK,),
        in_specs=[
            pl.BlockSpec((QH, D), lambda i: (0, 0)),
            pl.BlockSpec((N_BLK, D), lambda i: (i, 0)),
        ],
        out_specs=pl.BlockSpec((QH, N_BLK), lambda i: (0, i)),
        out_shape=jax.ShapeDtypeStruct((QH, N), jnp.float32),
    )(h_half, cache_hiddens)



def _sc_scatter_body(kern_hbm, words_hbm, out_hbm, acc, wbuf, kbuf,
                     semk0, semk1, semo):
    wid = lax.axis_index("s") * 2 + lax.axis_index("c")
    pltpu.sync_copy(words_hbm, wbuf)
    NCH = N // CH

    def scatter_chunk(base, buf_idx):
        @plsc.parallel_loop(0, CH // L, step=1, unroll=16)
        def s(g):
            idx = wbuf[pl.ds(base + g * L, L)]
            val = kbuf[buf_idx, pl.ds(g * L, L)]
            plsc.addupdate_scatter(acc, [idx], val)

    def row_body(j, _):
        q = wid * QPW + j
        pltpu.async_copy(kern_hbm.at[q, pl.ds(0, CH)], kbuf.at[0], semk0)

        @plsc.parallel_loop(0, VOCAB // L, step=1, unroll=16)
        def z(i):
            acc[pl.ds(i * L, L)] = jnp.zeros((L,), jnp.float32)

        def pair_body(p, _):
            c0 = 2 * p
            h1 = pltpu.async_copy(
                kern_hbm.at[q, pl.ds((c0 + 1) * CH, CH)], kbuf.at[1], semk1)
            pltpu.make_async_copy(
                kern_hbm.at[q, pl.ds(c0 * CH, CH)], kbuf.at[0], semk0).wait()
            scatter_chunk(c0 * CH, 0)

            @pl.when(c0 + 2 < NCH)
            def _():
                pltpu.async_copy(
                    kern_hbm.at[q, pl.ds((c0 + 2) * CH, CH)],
                    kbuf.at[0], semk0)
            h1.wait()
            scatter_chunk((c0 + 1) * CH, 1)
            return 0

        lax.fori_loop(0, NCH // 2, pair_body, 0)
        pltpu.sync_copy(acc, out_hbm.at[q])
        return 0

    lax.fori_loop(0, QPW, row_body, 0)


def _sc_scatter(kern, words):
    mesh = plsc.VectorSubcoreMesh(core_axis_name="c", subcore_axis_name="s")
    f = pl.kernel(
        _sc_scatter_body,
        out_type=jax.ShapeDtypeStruct((QH, VOCAB), jnp.float32),
        mesh=mesh,
        scratch_types=[
            pltpu.VMEM((VOCAB,), jnp.float32),
            pltpu.VMEM((N,), jnp.int32),
            pltpu.VMEM((2, CH), jnp.float32),
            pltpu.SemaphoreType.DMA,
            pltpu.SemaphoreType.DMA,
            pltpu.SemaphoreType.DMA,
        ],
        compiler_params=pltpu.CompilerParams(needs_layout_passes=False),
    )
    return f(kern, words)



def _lse_body(x_ref, m_ref, s_ref):
    i = pl.program_id(0)
    x = x_ref[...]
    col = i * LSE_BLK + lax.broadcasted_iota(jnp.int32, x.shape, 1)
    valid = col < VOCAB
    xm = jnp.where(valid, x, -jnp.inf)
    bm = jnp.max(xm, axis=1, keepdims=True)

    @pl.when(i == 0)
    def _():
        m_ref[...] = jnp.full_like(m_ref, -jnp.inf)
        s_ref[...] = jnp.zeros_like(s_ref)

    m_old = m_ref[...]
    m_new = jnp.maximum(m_old, bm)
    bs = jnp.sum(jnp.where(valid, jnp.exp(x - m_new), 0.0), axis=1,
                 keepdims=True)
    s_ref[...] = s_ref[...] * jnp.exp(m_old - m_new) + bs
    m_ref[...] = m_new


def _lse(x):
    return pl.pallas_call(
        _lse_body,
        grid=(LSE_STEPS,),
        in_specs=[pl.BlockSpec((QH, LSE_BLK), lambda i: (0, i))],
        out_specs=[
            pl.BlockSpec((QH, 1), lambda i: (0, 0)),
            pl.BlockSpec((QH, 1), lambda i: (0, 0)),
        ],
        out_shape=[
            jax.ShapeDtypeStruct((QH, 1), jnp.float32),
            jax.ShapeDtypeStruct((QH, 1), jnp.float32),
        ],
    )(x)


def _sub_transpose_a_body(x_ref, m_ref, s_ref, o_ref):
    x = x_ref[...]
    off = m_ref[...] + jnp.log(s_ref[...])
    o_ref[...] = (x - off).T


def _sub_transpose_a(x, m, s):
    vec = pl.BlockSpec((QH, 1), lambda i: (0, 0))
    half = pl.BlockSpec((QH, TR_BLK), lambda i: (0, i))
    return pl.pallas_call(
        _sub_transpose_a_body,
        grid=(TR_STEPS,),
        in_specs=[half, vec, vec],
        out_specs=pl.BlockSpec((TR_BLK, QH), lambda i: (i, 0)),
        out_shape=jax.ShapeDtypeStruct((VOCAB, Q), jnp.float32),
    )(x, m, s)


def _sub_transpose_b_body(prev_ref, x_ref, m_ref, s_ref, o_ref):
    del prev_ref
    x = x_ref[...]
    off = m_ref[...] + jnp.log(s_ref[...])
    o_ref[...] = (x - off).T


def _sub_transpose_b(prev, x, m, s):
    vec = pl.BlockSpec((QH, 1), lambda i: (0, 0))
    half = pl.BlockSpec((QH, TR_BLK), lambda i: (0, i))
    return pl.pallas_call(
        _sub_transpose_b_body,
        grid=(TR_STEPS,),
        in_specs=[
            pl.BlockSpec(memory_space=pl.ANY),
            half, vec, vec,
        ],
        out_specs=pl.BlockSpec((TR_BLK, QH), lambda i: (i, 1)),
        out_shape=jax.ShapeDtypeStruct((VOCAB, Q), jnp.float32),
        input_output_aliases={0: 0},
    )(prev, x, m, s)


def kernel(h_t, cache_hiddens, cache_words):
    kern_a = _kern_matrix(h_t[:QH], cache_hiddens)
    kern_b = _kern_matrix(h_t[QH:], cache_hiddens)
    cp_a = _sc_scatter(kern_a, cache_words)
    cp_b = _sc_scatter(kern_b, cache_words)
    ma, sa = _lse(cp_a)
    out_t = _sub_transpose_a(cp_a, ma, sa)
    cp_b, out_t = lax.optimization_barrier((cp_b, out_t))
    mb, sb = _lse(cp_b)
    out_t = _sub_transpose_b(out_t, cp_b, mb, sb)
    return out_t.T

# --- scband reference (transcript-rebuilt; emitter-appended) ---
"""Pipeline reference for scband-cache-64707977282190 (READ-ONLY COPY).

The authoritative reference and input builder live on the scoring server;
editing this copy changes nothing except your own understanding.
"""

import jax, jax.numpy as jnp
import numpy as np

SMOOTH = 8.0
VOCAB = 50000
Q = 512
N = 65536
D = 512

def setup_inputs(seed: int = 0) -> dict:
    key = jax.random.key(seed)
    k1, k2, k3 = jax.random.split(key, 3)
    h_t = jax.random.normal(k1, (Q, D), dtype=jnp.float32)
    cache_hiddens = jax.random.normal(k2, (N, D), dtype=jnp.float32)
    cache_words = jax.random.randint(k3, (N,), 0, VOCAB, dtype=jnp.int32)
    return {"h_t": h_t, "cache_hiddens": cache_hiddens, "cache_words": cache_words}

def reference(h_t, cache_hiddens, cache_words):
    # Faithful batched version of Cache.calculate_sum:
    # for each query h_t and each vocab word v:
    #   cache_p[q, v] = sum_{i : word_i == v} exp(||h_i - h_t[q]|| / smooth)
    # then log_softmax over the vocab axis (torch F.log_softmax implicit dim=1).
    q_sq = jnp.sum(h_t * h_t, axis=1, keepdims=True)          # [Q, 1]
    k_sq = jnp.sum(cache_hiddens * cache_hiddens, axis=1)[None, :]  # [1, N]
    dots = h_t @ cache_hiddens.T                               # [Q, N] matmul
    sq = jnp.maximum(q_sq + k_sq - 2.0 * dots, 0.0)
    dist = jnp.sqrt(sq)                                        # torch.norm(h_i - h_t)
    kern = jnp.exp(dist / SMOOTH)                              # self.kernel = torch.exp
    cache_p = jnp.zeros((h_t.shape[0], VOCAB), dtype=jnp.float32)
    cache_p = cache_p.at[:, cache_words].add(kern)             # scatter-add by word id
    return jax.nn.log_softmax(cache_p, axis=-1)

if __name__ == "__main__":
    import jax
    _d = setup_inputs()
    print(jax.jit(kernel)(*tuple(_d.values())))

</pallas_src>

<mosaic_0001>
#map = affine_map<(d0, d1) -> (0, 0)>
#map1 = affine_map<(d0, d1) -> (0)>
module attributes {stable_mosaic.version = 14 : i64} {
  func.func @_sc_scatter_body(%arg0: i32, %arg1: i32, %arg2: memref<256x65536xf32, #tpu.memory_space<hbm>>, %arg3: memref<65536xi32, #tpu.memory_space<hbm>>, %arg4: memref<256x50000xf32, #tpu.memory_space<hbm>>, %arg5: memref<50000xf32, #tpu.memory_space<vmem>>, %arg6: memref<65536xi32, #tpu.memory_space<vmem>>, %arg7: memref<2x4096xf32, #tpu.memory_space<vmem>>, %arg8: memref<!tpu.dma_semaphore, #tpu.memory_space<semaphore_mem>>, %arg9: memref<!tpu.dma_semaphore, #tpu.memory_space<semaphore_mem>>, %arg10: memref<!tpu.dma_semaphore, #tpu.memory_space<semaphore_mem>>) attributes {dimension_semantics = [#tpu.dimension_semantics<core_parallel>, #tpu.dimension_semantics<subcore_parallel>], iteration_bounds = array<i64: 2, 16>, scalar_prefetch = 0 : i64, scratch_operands = 6 : i64, tpu.core_type = #tpu.core_type<sc_vector_subcore>, window_params = [{transform_indices = #map}, {transform_indices = #map1}, {transform_indices = #map}]} {
    %mul3A = arith.constant 2 : i32
    %mul3A_0 = arith.muli %arg1, %mul3A : i32
    %add3A = arith.addi %mul3A_0, %arg0 : i32
    "tpu.region"() ({
      %run_scoped3A = tpu.sem_alloc : memref<!tpu.dma_semaphore, #tpu.memory_space<semaphore_mem>>
      tpu.enqueue_dma source(%arg3 : memref<65536xi32, #tpu.memory_space<hbm>>) target(%arg6 : memref<65536xi32, #tpu.memory_space<vmem>>) target_semaphore(%run_scoped3A : memref<!tpu.dma_semaphore, #tpu.memory_space<semaphore_mem>>)
      tpu.wait_dma2 semaphore(%run_scoped3A : memref<!tpu.dma_semaphore, #tpu.memory_space<semaphore_mem>>) src(%arg3 : memref<65536xi32, #tpu.memory_space<hbm>>) dst(%arg6 : memref<65536xi32, #tpu.memory_space<vmem>>)
      tpu.yield
    }) : () -> ()
    %scan3A = arith.constant 0 : i32
    %scan3A_1 = arith.constant 0 : i32
    %scan3A_2 = arith.constant 8 : i32
    %scan3A_3 = arith.addi %scan3A_1, %scan3A_2 : i32
    %scan3A_4 = arith.constant 1 : i32
    %scan3A_5 = scf.for %scan3A_7 = %scan3A_1 to %scan3A_3 step %scan3A_4 iter_args(%scan3A_8 = %scan3A) -> (i32)  : i32 {
      %mul3A_9 = arith.constant 8 : i32
      %mul3A_10 = arith.muli %add3A, %mul3A_9 : i32
      %add3A_11 = arith.addi %mul3A_10, %scan3A_7 : i32
      %dma_start3A = arith.constant 0 : i32
      %dma_start3A_12 = arith.constant 0 : i32
      %dma_start3A_13 = tpu.memref_slice %arg7[%dma_start3A, %dma_start3A_12] : memref<2x4096xf32, #tpu.memory_space<vmem>> -> memref<1x4096xf32, #tpu.memory_space<vmem>>
      %dma_start3A_14 = tpu.memref_squeeze %dma_start3A_13 : memref<1x4096xf32, #tpu.memory_space<vmem>> -> memref<4096xf32, #tpu.memory_space<vmem>>
      %dma_start3A_15 = arith.constant 0 : i32
      %dma_start3A_16 = tpu.memref_slice %arg2[%add3A_11, %dma_start3A_15] : memref<256x65536xf32, #tpu.memory_space<hbm>> -> memref<1x4096xf32, #tpu.memory_space<hbm>>
      %dma_start3A_17 = tpu.memref_squeeze %dma_start3A_16 : memref<1x4096xf32, #tpu.memory_space<hbm>> -> memref<4096xf32, #tpu.memory_space<hbm>>
      %dma_start3A_18 = arith.constant 0 : i32
      %dma_start3A_19 = tpu.memref_slice %arg7[%dma_start3A, %dma_start3A_18] : memref<2x4096xf32, #tpu.memory_space<vmem>> -> memref<1x4096xf32, #tpu.memory_space<vmem>>
      %dma_start3A_20 = tpu.memref_squeeze %dma_start3A_19 : memref<1x4096xf32, #tpu.memory_space<vmem>> -> memref<4096xf32, #tpu.memory_space<vmem>>
      %dma_start3A_21 = arith.constant 0 : i32
      %dma_start3A_22 = tpu.memref_slice %arg2[%add3A_11, %dma_start3A_21] : memref<256x65536xf32, #tpu.memory_space<hbm>> -> memref<1x4096xf32, #tpu.memory_space<hbm>>
      %dma_start3A_23 = tpu.memref_squeeze %dma_start3A_22 : memref<1x4096xf32, #tpu.memory_space<hbm>> -> memref<4096xf32, #tpu.memory_space<hbm>>
      tpu.enqueue_dma source(%dma_start3A_23 : memref<4096xf32, #tpu.memory_space<hbm>>) target(%dma_start3A_20 : memref<4096xf32, #tpu.memory_space<vmem>>) target_semaphore(%arg8 : memref<!tpu.dma_semaphore, #tpu.memory_space<semaphore_mem>>)
      %parallel_loop3A = arith.constant 0 : i32
      %parallel_loop3A_24 = arith.constant 3125 : i32
      %parallel_loop3A_25 = arith.constant 1 : i32
      scf.for %parallel_loop3A_34 = %parallel_loop3A to %parallel_loop3A_24 step %parallel_loop3A_25  : i32 {
        %parallel_loop3A_35 = arith.constant 0.000000e+00 : f32
        %parallel_loop3A_36 = vector.broadcast %parallel_loop3A_35 : f32 to vector<16xf32>
        %parallel_loop3A_37 = arith.constant 16 : i32
        %parallel_loop3A_38 = arith.muli %parallel_loop3A_34, %parallel_loop3A_37 : i32
        %parallel_loop3A_39 = arith.index_cast %parallel_loop3A_38 : i32 to index
        %parallel_loop3A_40 = tpu.vector_load %arg5[%parallel_loop3A_39] {strides = array<i32>} : memref<50000xf32, #tpu.memory_space<vmem>>, vector<16xf32>,
        tpu.vector_store %arg5[%parallel_loop3A_39], %parallel_loop3A_36 {strides = array<i32>} : memref<50000xf32, #tpu.memory_space<vmem>>, vector<16xf32>,
      } {sc.loop_unroll_factor = 16 : i64, sc.parallel_access}
      %scan3A_26 = arith.constant 0 : i32
      %scan3A_27 = arith.constant 0 : i32
      %scan3A_28 = arith.constant 8 : i32
      %scan3A_29 = arith.addi %scan3A_27, %scan3A_28 : i32
      %scan3A_30 = arith.constant 1 : i32
      %scan3A_31 = scf.for %scan3A_34 = %scan3A_27 to %scan3A_29 step %scan3A_30 iter_args(%scan3A_35 = %scan3A_26) -> (i32)  : i32 {
        %mul3A_36 = arith.constant 2 : i32
        %mul3A_37 = arith.muli %mul3A_36, %scan3A_34 : i32
        %add3A_38 = arith.constant 1 : i32
        %add3A_39 = arith.addi %mul3A_37, %add3A_38 : i32
        %mul3A_40 = arith.constant 4096 : i32
        %mul3A_41 = arith.muli %add3A_39, %mul3A_40 : i32
        %dma_start3A_42 = arith.constant 1 : i32
        %dma_start3A_43 = arith.constant 0 : i32
        %dma_start3A_44 = tpu.memref_slice %arg7[%dma_start3A_42, %dma_start3A_43] : memref<2x4096xf32, #tpu.memory_space<vmem>> -> memref<1x4096xf32, #tpu.memory_space<vmem>>
        %dma_start3A_45 = tpu.memref_squeeze %dma_start3A_44 : memref<1x4096xf32, #tpu.memory_space<vmem>> -> memref<4096xf32, #tpu.memory_space<vmem>>
        %dma_start3A_46 = tpu.memref_slice %arg2[%add3A_11, %mul3A_41] : memref<256x65536xf32, #tpu.memory_space<hbm>> -> memref<1x4096xf32, #tpu.memory_space<hbm>>
        %dma_start3A_47 = tpu.memref_squeeze %dma_start3A_46 : memref<1x4096xf32, #tpu.memory_space<hbm>> -> memref<4096xf32, #tpu.memory_space<hbm>>
        %dma_start3A_48 = arith.constant 0 : i32
        %dma_start3A_49 = tpu.memref_slice %arg7[%dma_start3A_42, %dma_start3A_48] : memref<2x4096xf32, #tpu.memory_space<vmem>> -> memref<1x4096xf32, #tpu.memory_space<vmem>>
        %dma_start3A_50 = tpu.memref_squeeze %dma_start3A_49 : memref<1x4096xf32, #tpu.memory_space<vmem>> -> memref<4096xf32, #tpu.memory_space<vmem>>
        %dma_start3A_51 = tpu.memref_slice %arg2[%add3A_11, %mul3A_41] : memref<256x65536xf32, #tpu.memory_space<hbm>> -> memref<1x4096xf32, #tpu.memory_space<hbm>>
        %dma_start3A_52 = tpu.memref_squeeze %dma_start3A_51 : memref<1x4096xf32, #tpu.memory_space<hbm>> -> memref<4096xf32, #tpu.memory_space<hbm>>
        tpu.enqueue_dma source(%dma_start3A_52 : memref<4096xf32, #tpu.memory_space<hbm>>) target(%dma_start3A_50 : memref<4096xf32, #tpu.memory_space<vmem>>) target_semaphore(%arg9 : memref<!tpu.dma_semaphore, #tpu.memory_space<semaphore_mem>>)
        %mul3A_53 = arith.constant 4096 : i32
        %mul3A_54 = arith.muli %mul3A_37, %mul3A_53 : i32
        %dma_wait3A = arith.constant 0 : i32
        %dma_wait3A_55 = arith.constant 0 : i32
        %dma_wait3A_56 = tpu.memref_slice %arg7[%dma_wait3A, %dma_wait3A_55] : memref<2x4096xf32, #tpu.memory_space<vmem>> -> memref<1x4096xf32, #tpu.memory_space<vmem>>
        %dma_wait3A_57 = tpu.memref_squeeze %dma_wait3A_56 : memref<1x4096xf32, #tpu.memory_space<vmem>> -> memref<4096xf32, #tpu.memory_space<vmem>>
        %dma_wait3A_58 = tpu.memref_slice %arg2[%add3A_11, %mul3A_54] : memref<256x65536xf32, #tpu.memory_space<hbm>> -> memref<1x4096xf32, #tpu.memory_space<hbm>>
        %dma_wait3A_59 = tpu.memref_squeeze %dma_wait3A_58 : memref<1x4096xf32, #tpu.memory_space<hbm>> -> memref<4096xf32, #tpu.memory_space<hbm>>
        %dma_wait3A_60 = arith.constant 0 : i32
        %dma_wait3A_61 = tpu.memref_slice %arg7[%dma_wait3A, %dma_wait3A_60] : memref<2x4096xf32, #tpu.memory_space<vmem>> -> memref<1x4096xf32, #tpu.memory_space<vmem>>
        %dma_wait3A_62 = tpu.memref_squeeze %dma_wait3A_61 : memref<1x4096xf32, #tpu.memory_space<vmem>> -> memref<4096xf32, #tpu.memory_space<vmem>>
        %dma_wait3A_63 = tpu.memref_slice %arg2[%add3A_11, %mul3A_54] : memref<256x65536xf32, #tpu.memory_space<hbm>> -> memref<1x4096xf32, #tpu.memory_space<hbm>>
        %dma_wait3A_64 = tpu.memref_squeeze %dma_wait3A_63 : memref<1x4096xf32, #tpu.memory_space<hbm>> -> memref<4096xf32, #tpu.memory_space<hbm>>
        tpu.wait_dma2 semaphore(%arg8 : memref<!tpu.dma_semaphore, #tpu.memory_space<semaphore_mem>>) src(%dma_wait3A_64 : memref<4096xf32, #tpu.memory_space<hbm>>) dst(%dma_wait3A_62 : memref<4096xf32, #tpu.memory_space<vmem>>)
        %mul3A_65 = arith.constant 4096 : i32
        %mul3A_66 = arith.muli %mul3A_37, %mul3A_65 : i32
        %parallel_loop3A_67 = arith.constant 0 : i32
        %parallel_loop3A_68 = arith.constant 256 : i32
        %parallel_loop3A_69 = arith.constant 1 : i32
        scf.for %parallel_loop3A_93 = %parallel_loop3A_67 to %parallel_loop3A_68 step %parallel_loop3A_69  : i32 {
          %parallel_loop3A_94 = arith.constant 16 : i32
          %parallel_loop3A_95 = arith.muli %parallel_loop3A_93, %parallel_loop3A_94 : i32
          %parallel_loop3A_96 = arith.addi %mul3A_66, %parallel_loop3A_95 : i32
          %parallel_loop3A_97 = arith.index_cast %parallel_loop3A_96 : i32 to index
          %parallel_loop3A_98 = tpu.vector_load %arg6[%parallel_loop3A_97] {strides = array<i32>} : memref<65536xi32, #tpu.memory_space<vmem>>, vector<16xi32>,
          %parallel_loop3A_99 = arith.constant 16 : i32
          %parallel_loop3A_100 = arith.muli %parallel_loop3A_93, %parallel_loop3A_99 : i32
          %parallel_loop3A_101 = arith.constant 0 : i32
          %parallel_loop3A_102 = arith.index_cast %parallel_loop3A_101 : i32 to index
          %parallel_loop3A_103 = arith.index_cast %parallel_loop3A_100 : i32 to index
          %parallel_loop3A_104 = tpu.vector_load %arg7[%parallel_loop3A_102, %parallel_loop3A_103] {strides = array<i32>} : memref<2x4096xf32, #tpu.memory_space<vmem>>, vector<16xf32>,
          tpu.vector_store_idx %arg5[%parallel_loop3A_98], %parallel_loop3A_104 {add = true} : memref<50000xf32, #tpu.memory_space<vmem>>[vector<16xi32>], vector<16xf32>,
        } {sc.loop_unroll_factor = 16 : i64, sc.parallel_access}
        %add3A_70 = arith.constant 2 : i32
        %add3A_71 = arith.addi %mul3A_37, %add3A_70 : i32
        %lt3A = arith.constant 16 : i32
        %lt3A_72 = arith.cmpi slt, %add3A_71, %lt3A : i32
        %convert_element_type3A = arith.extui %lt3A_72 : i1 to i32
        %cond3A = arith.constant 0 : i32
        %cond3A_73 = arith.cmpi ne, %convert_element_type3A, %cond3A : i32
        scf.if %cond3A_73 {
          %add3A_93 = arith.constant 2 : i32
          %add3A_94 = arith.addi %mul3A_37, %add3A_93 : i32
          %mul3A_95 = arith.constant 4096 : i32
          %mul3A_96 = arith.muli %add3A_94, %mul3A_95 : i32
          %dma_start3A_97 = arith.constant 0 : i32
          %dma_start3A_98 = arith.constant 0 : i32
          %dma_start3A_99 = tpu.memref_slice %arg7[%dma_start3A_97, %dma_start3A_98] : memref<2x4096xf32, #tpu.memory_space<vmem>> -> memref<1x4096xf32, #tpu.memory_space<vmem>>
          %dma_start3A_100 = tpu.memref_squeeze %dma_start3A_99 : memref<1x4096xf32, #tpu.memory_space<vmem>> -> memref<4096xf32, #tpu.memory_space<vmem>>
          %dma_start3A_101 = tpu.memref_slice %arg2[%add3A_11, %mul3A_96] : memref<256x65536xf32, #tpu.memory_space<hbm>> -> memref<1x4096xf32, #tpu.memory_space<hbm>>
          %dma_start3A_102 = tpu.memref_squeeze %dma_start3A_101 : memref<1x4096xf32, #tpu.memory_space<hbm>> -> memref<4096xf32, #tpu.memory_space<hbm>>
          %dma_start3A_103 = arith.constant 0 : i32
          %dma_start3A_104 = tpu.memref_slice %arg7[%dma_start3A_97, %dma_start3A_103] : memref<2x4096xf32, #tpu.memory_space<vmem>> -> memref<1x4096xf32, #tpu.memory_space<vmem>>
          %dma_start3A_105 = tpu.memref_squeeze %dma_start3A_104 : memref<1x4096xf32, #tpu.memory_space<vmem>> -> memref<4096xf32, #tpu.memory_space<vmem>>
          %dma_start3A_106 = tpu.memref_slice %arg2[%add3A_11, %mul3A_96] : memref<256x65536xf32, #tpu.memory_space<hbm>> -> memref<1x4096xf32, #tpu.memory_space<hbm>>
          %dma_start3A_107 = tpu.memref_squeeze %dma_start3A_106 : memref<1x4096xf32, #tpu.memory_space<hbm>> -> memref<4096xf32, #tpu.memory_space<hbm>>
          tpu.enqueue_dma source(%dma_start3A_107 : memref<4096xf32, #tpu.memory_space<hbm>>) target(%dma_start3A_105 : memref<4096xf32, #tpu.memory_space<vmem>>) target_semaphore(%arg8 : memref<!tpu.dma_semaphore, #tpu.memory_space<semaphore_mem>>)
        } else {
        }
        %dma_wait3A_74 = arith.constant 1 : i32
        %dma_wait3A_75 = arith.constant 0 : i32
        %dma_wait3A_76 = tpu.memref_slice %arg7[%dma_wait3A_74, %dma_wait3A_75] : memref<2x4096xf32, #tpu.memory_space<vmem>> -> memref<1x4096xf32, #tpu.memory_space<vmem>>
        %dma_wait3A_77 = tpu.memref_squeeze %dma_wait3A_76 : memref<1x4096xf32, #tpu.memory_space<vmem>> -> memref<4096xf32, #tpu.memory_space<vmem>>
        %dma_wait3A_78 = tpu.memref_slice %arg2[%add3A_11, %mul3A_41] : memref<256x65536xf32, #tpu.memory_space<hbm>> -> memref<1x4096xf32, #tpu.memory_space<hbm>>
        %dma_wait3A_79 = tpu.memref_squeeze %dma_wait3A_78 : memref<1x4096xf32, #tpu.memory_space<hbm>> -> memref<4096xf32, #tpu.memory_space<hbm>>
        %dma_wait3A_80 = arith.constant 0 : i32
        %dma_wait3A_81 = tpu.memref_slice %arg7[%dma_wait3A_74, %dma_wait3A_80] : memref<2x4096xf32, #tpu.memory_space<vmem>> -> memref<1x4096xf32, #tpu.memory_space<vmem>>
        %dma_wait3A_82 = tpu.memref_squeeze %dma_wait3A_81 : memref<1x4096xf32, #tpu.memory_space<vmem>> -> memref<4096xf32, #tpu.memory_space<vmem>>
        %dma_wait3A_83 = tpu.memref_slice %arg2[%add3A_11, %mul3A_41] : memref<256x65536xf32, #tpu.memory_space<hbm>> -> memref<1x4096xf32, #tpu.memory_space<hbm>>
        %dma_wait3A_84 = tpu.memref_squeeze %dma_wait3A_83 : memref<1x4096xf32, #tpu.memory_space<hbm>> -> memref<4096xf32, #tpu.memory_space<hbm>>
        tpu.wait_dma2 semaphore(%arg9 : memref<!tpu.dma_semaphore, #tpu.memory_space<semaphore_mem>>) src(%dma_wait3A_84 : memref<4096xf32, #tpu.memory_space<hbm>>) dst(%dma_wait3A_82 : memref<4096xf32, #tpu.memory_space<vmem>>)
        %add3A_85 = arith.constant 1 : i32
        %add3A_86 = arith.addi %mul3A_37, %add3A_85 : i32
        %mul3A_87 = arith.constant 4096 : i32
        %mul3A_88 = arith.muli %add3A_86, %mul3A_87 : i32
        %parallel_loop3A_89 = arith.constant 0 : i32
        %parallel_loop3A_90 = arith.constant 256 : i32
        %parallel_loop3A_91 = arith.constant 1 : i32
        scf.for %parallel_loop3A_93 = %parallel_loop3A_89 to %parallel_loop3A_90 step %parallel_loop3A_91  : i32 {
          %parallel_loop3A_94 = arith.constant 16 : i32
          %parallel_loop3A_95 = arith.muli %parallel_loop3A_93, %parallel_loop3A_94 : i32
          %parallel_loop3A_96 = arith.addi %mul3A_88, %parallel_loop3A_95 : i32
          %parallel_loop3A_97 = arith.index_cast %parallel_loop3A_96 : i32 to index
          %parallel_loop3A_98 = tpu.vector_load %arg6[%parallel_loop3A_97] {strides = array<i32>} : memref<65536xi32, #tpu.memory_space<vmem>>, vector<16xi32>,
          %parallel_loop3A_99 = arith.constant 16 : i32
          %parallel_loop3A_100 = arith.muli %parallel_loop3A_93, %parallel_loop3A_99 : i32
          %parallel_loop3A_101 = arith.constant 1 : i32
          %parallel_loop3A_102 = arith.index_cast %parallel_loop3A_101 : i32 to index
          %parallel_loop3A_103 = arith.index_cast %parallel_loop3A_100 : i32 to index
          %parallel_loop3A_104 = tpu.vector_load %arg7[%parallel_loop3A_102, %parallel_loop3A_103] {strides = array<i32>} : memref<2x4096xf32, #tpu.memory_space<vmem>>, vector<16xf32>,
          tpu.vector_store_idx %arg5[%parallel_loop3A_98], %parallel_loop3A_104 {add = true} : memref<50000xf32, #tpu.memory_space<vmem>>[vector<16xi32>], vector<16xf32>,
        } {sc.loop_unroll_factor = 16 : i64, sc.parallel_access}
        %scan3A_92 = arith.constant 0 : i32
        scf.yield %scan3A_92 : i32
      }
      %scan3A_32 = arith.constant 8 : i32
      "tpu.region"() ({
        %run_scoped3A = tpu.sem_alloc : memref<!tpu.dma_semaphore, #tpu.memory_space<semaphore_mem>>
        %dma_start3A_34 = arith.constant 0 : i32
        %dma_start3A_35 = tpu.memref_slice %arg4[%add3A_11, %dma_start3A_34] : memref<256x50000xf32, #tpu.memory_space<hbm>> -> memref<1x50000xf32, #tpu.memory_space<hbm>>
        %dma_start3A_36 = tpu.memref_squeeze %dma_start3A_35 : memref<1x50000xf32, #tpu.memory_space<hbm>> -> memref<50000xf32, #tpu.memory_space<hbm>>
        %dma_start3A_37 = arith.constant 0 : i32
        %dma_start3A_38 = tpu.memref_slice %arg4[%add3A_11, %dma_start3A_37] : memref<256x50000xf32, #tpu.memory_space<hbm>> -> memref<1x50000xf32, #tpu.memory_space<hbm>>
        %dma_start3A_39 = tpu.memref_squeeze %dma_start3A_38 : memref<1x50000xf32, #tpu.memory_space<hbm>> -> memref<50000xf32, #tpu.memory_space<hbm>>
        tpu.enqueue_dma source(%arg5 : memref<50000xf32, #tpu.memory_space<vmem>>) target(%dma_start3A_39 : memref<50000xf32, #tpu.memory_space<hbm>>) target_semaphore(%run_scoped3A : memref<!tpu.dma_semaphore, #tpu.memory_space<semaphore_mem>>)
        %dma_wait3A = arith.constant 0 : i32
        %dma_wait3A_40 = tpu.memref_slice %arg4[%add3A_11, %dma_wait3A] : memref<256x50000xf32, #tpu.memory_space<hbm>> -> memref<1x50000xf32, #tpu.memory_space<hbm>>
        %dma_wait3A_41 = tpu.memref_squeeze %dma_wait3A_40 : memref<1x50000xf32, #tpu.memory_space<hbm>> -> memref<50000xf32, #tpu.memory_space<hbm>>
        %dma_wait3A_42 = arith.constant 0 : i32
        %dma_wait3A_43 = tpu.memref_slice %arg4[%add3A_11, %dma_wait3A_42] : memref<256x50000xf32, #tpu.memory_space<hbm>> -> memref<1x50000xf32, #tpu.memory_space<hbm>>
        %dma_wait3A_44 = tpu.memref_squeeze %dma_wait3A_43 : memref<1x50000xf32, #tpu.memory_space<hbm>> -> memref<50000xf32, #tpu.memory_space<hbm>>
        tpu.wait_dma2 semaphore(%run_scoped3A : memref<!tpu.dma_semaphore, #tpu.memory_space<semaphore_mem>>) src(%arg5 : memref<50000xf32, #tpu.memory_space<vmem>>) dst(%dma_wait3A_44 : memref<50000xf32, #tpu.memory_space<hbm>>)
        tpu.yield
      }) : () -> ()
      %scan3A_33 = arith.constant 0 : i32
      scf.yield %scan3A_33 : i32
    }
    %scan3A_6 = arith.constant 8 : i32
    return
  }
}

#map = affine_map<(d0, d1) -> (0, 0)>
#map1 = affine_map<(d0, d1) -> (0)>
module attributes {stable_mosaic.version = 14 : i64} {
  func.func @_sc_scatter_body(%arg0: i32, %arg1: i32, %arg2: memref<256x65536xf32, #tpu.memory_space<hbm>>, %arg3: memref<65536xi32, #tpu.memory_space<hbm>>, %arg4: memref<256x50000xf32, #tpu.memory_space<hbm>>, %arg5: memref<50000xf32, #tpu.memory_space<vmem>>, %arg6: memref<65536xi32, #tpu.memory_space<vmem>>, %arg7: memref<2x4096xf32, #tpu.memory_space<vmem>>, %arg8: memref<!tpu.dma_semaphore, #tpu.memory_space<semaphore_mem>>, %arg9: memref<!tpu.dma_semaphore, #tpu.memory_space<semaphore_mem>>, %arg10: memref<!tpu.dma_semaphore, #tpu.memory_space<semaphore_mem>>) attributes {dimension_semantics = [#tpu.dimension_semantics<core_parallel>, #tpu.dimension_semantics<subcore_parallel>], iteration_bounds = array<i64: 2, 16>, scalar_prefetch = 0 : i64, scratch_operands = 6 : i64, tpu.core_type = #tpu.core_type<sc_vector_subcore>, window_params = [{transform_indices = #map}, {transform_indices = #map1}, {transform_indices = #map}]} {
    %mul3A = arith.constant 2 : i32
    %mul3A_0 = arith.muli %arg1, %mul3A : i32
    %add3A = arith.addi %mul3A_0, %arg0 : i32
    "tpu.region"() ({
      %run_scoped3A = tpu.sem_alloc : memref<!tpu.dma_semaphore, #tpu.memory_space<semaphore_mem>>
      tpu.enqueue_dma source(%arg3 : memref<65536xi32, #tpu.memory_space<hbm>>) target(%arg6 : memref<65536xi32, #tpu.memory_space<vmem>>) target_semaphore(%run_scoped3A : memref<!tpu.dma_semaphore, #tpu.memory_space<semaphore_mem>>)
      tpu.wait_dma2 semaphore(%run_scoped3A : memref<!tpu.dma_semaphore, #tpu.memory_space<semaphore_mem>>) src(%arg3 : memref<65536xi32, #tpu.memory_space<hbm>>) dst(%arg6 : memref<65536xi32, #tpu.memory_space<vmem>>)
      tpu.yield
    }) : () -> ()
    %scan3A = arith.constant 0 : i32
    %scan3A_1 = arith.constant 0 : i32
    %scan3A_2 = arith.constant 8 : i32
    %scan3A_3 = arith.addi %scan3A_1, %scan3A_2 : i32
    %scan3A_4 = arith.constant 1 : i32
    %scan3A_5 = scf.for %scan3A_7 = %scan3A_1 to %scan3A_3 step %scan3A_4 iter_args(%scan3A_8 = %scan3A) -> (i32)  : i32 {
      %mul3A_9 = arith.constant 8 : i32
      %mul3A_10 = arith.muli %add3A, %mul3A_9 : i32
      %add3A_11 = arith.addi %mul3A_10, %scan3A_7 : i32
      %dma_start3A = arith.constant 0 : i32
      %dma_start3A_12 = arith.constant 0 : i32
      %dma_start3A_13 = tpu.memref_slice %arg7[%dma_start3A, %dma_start3A_12] : memref<2x4096xf32, #tpu.memory_space<vmem>> -> memref<1x4096xf32, #tpu.memory_space<vmem>>
      %dma_start3A_14 = tpu.memref_squeeze %dma_start3A_13 : memref<1x4096xf32, #tpu.memory_space<vmem>> -> memref<4096xf32, #tpu.memory_space<vmem>>
      %dma_start3A_15 = arith.constant 0 : i32
      %dma_start3A_16 = tpu.memref_slice %arg2[%add3A_11, %dma_start3A_15] : memref<256x65536xf32, #tpu.memory_space<hbm>> -> memref<1x4096xf32, #tpu.memory_space<hbm>>
      %dma_start3A_17 = tpu.memref_squeeze %dma_start3A_16 : memref<1x4096xf32, #tpu.memory_space<hbm>> -> memref<4096xf32, #tpu.memory_space<hbm>>
      %dma_start3A_18 = arith.constant 0 : i32
      %dma_start3A_19 = tpu.memref_slice %arg7[%dma_start3A, %dma_start3A_18] : memref<2x4096xf32, #tpu.memory_space<vmem>> -> memref<1x4096xf32, #tpu.memory_space<vmem>>
      %dma_start3A_20 = tpu.memref_squeeze %dma_start3A_19 : memref<1x4096xf32, #tpu.memory_space<vmem>> -> memref<4096xf32, #tpu.memory_space<vmem>>
      %dma_start3A_21 = arith.constant 0 : i32
      %dma_start3A_22 = tpu.memref_slice %arg2[%add3A_11, %dma_start3A_21] : memref<256x65536xf32, #tpu.memory_space<hbm>> -> memref<1x4096xf32, #tpu.memory_space<hbm>>
      %dma_start3A_23 = tpu.memref_squeeze %dma_start3A_22 : memref<1x4096xf32, #tpu.memory_space<hbm>> -> memref<4096xf32, #tpu.memory_space<hbm>>
      tpu.enqueue_dma source(%dma_start3A_23 : memref<4096xf32, #tpu.memory_space<hbm>>) target(%dma_start3A_20 : memref<4096xf32, #tpu.memory_space<vmem>>) target_semaphore(%arg8 : memref<!tpu.dma_semaphore, #tpu.memory_space<semaphore_mem>>)
      %parallel_loop3A = arith.constant 0 : i32
      %parallel_loop3A_24 = arith.constant 3125 : i32
      %parallel_loop3A_25 = arith.constant 1 : i32
      scf.for %parallel_loop3A_34 = %parallel_loop3A to %parallel_loop3A_24 step %parallel_loop3A_25  : i32 {
        %parallel_loop3A_35 = arith.constant 0.000000e+00 : f32
        %parallel_loop3A_36 = vector.broadcast %parallel_loop3A_35 : f32 to vector<16xf32>
        %parallel_loop3A_37 = arith.constant 16 : i32
        %parallel_loop3A_38 = arith.muli %parallel_loop3A_34, %parallel_loop3A_37 : i32
        %parallel_loop3A_39 = arith.index_cast %parallel_loop3A_38 : i32 to index
        %parallel_loop3A_40 = tpu.vector_load %arg5[%parallel_loop3A_39] {strides = array<i32>} : memref<50000xf32, #tpu.memory_space<vmem>>, vector<16xf32>,
        tpu.vector_store %arg5[%parallel_loop3A_39], %parallel_loop3A_36 {strides = array<i32>} : memref<50000xf32, #tpu.memory_space<vmem>>, vector<16xf32>,
      } {sc.loop_unroll_factor = 16 : i64, sc.parallel_access}
      %scan3A_26 = arith.constant 0 : i32
      %scan3A_27 = arith.constant 0 : i32
      %scan3A_28 = arith.constant 8 : i32
      %scan3A_29 = arith.addi %scan3A_27, %scan3A_28 : i32
      %scan3A_30 = arith.constant 1 : i32
      %scan3A_31 = scf.for %scan3A_34 = %scan3A_27 to %scan3A_29 step %scan3A_30 iter_args(%scan3A_35 = %scan3A_26) -> (i32)  : i32 {
        %mul3A_36 = arith.constant 2 : i32
        %mul3A_37 = arith.muli %mul3A_36, %scan3A_34 : i32
        %add3A_38 = arith.constant 1 : i32
        %add3A_39 = arith.addi %mul3A_37, %add3A_38 : i32
        %mul3A_40 = arith.constant 4096 : i32
        %mul3A_41 = arith.muli %add3A_39, %mul3A_40 : i32
        %dma_start3A_42 = arith.constant 1 : i32
        %dma_start3A_43 = arith.constant 0 : i32
        %dma_start3A_44 = tpu.memref_slice %arg7[%dma_start3A_42, %dma_start3A_43] : memref<2x4096xf32, #tpu.memory_space<vmem>> -> memref<1x4096xf32, #tpu.memory_space<vmem>>
        %dma_start3A_45 = tpu.memref_squeeze %dma_start3A_44 : memref<1x4096xf32, #tpu.memory_space<vmem>> -> memref<4096xf32, #tpu.memory_space<vmem>>
        %dma_start3A_46 = tpu.memref_slice %arg2[%add3A_11, %mul3A_41] : memref<256x65536xf32, #tpu.memory_space<hbm>> -> memref<1x4096xf32, #tpu.memory_space<hbm>>
        %dma_start3A_47 = tpu.memref_squeeze %dma_start3A_46 : memref<1x4096xf32, #tpu.memory_space<hbm>> -> memref<4096xf32, #tpu.memory_space<hbm>>
        %dma_start3A_48 = arith.constant 0 : i32
        %dma_start3A_49 = tpu.memref_slice %arg7[%dma_start3A_42, %dma_start3A_48] : memref<2x4096xf32, #tpu.memory_space<vmem>> -> memref<1x4096xf32, #tpu.memory_space<vmem>>
        %dma_start3A_50 = tpu.memref_squeeze %dma_start3A_49 : memref<1x4096xf32, #tpu.memory_space<vmem>> -> memref<4096xf32, #tpu.memory_space<vmem>>
        %dma_start3A_51 = tpu.memref_slice %arg2[%add3A_11, %mul3A_41] : memref<256x65536xf32, #tpu.memory_space<hbm>> -> memref<1x4096xf32, #tpu.memory_space<hbm>>
        %dma_start3A_52 = tpu.memref_squeeze %dma_start3A_51 : memref<1x4096xf32, #tpu.memory_space<hbm>> -> memref<4096xf32, #tpu.memory_space<hbm>>
        tpu.enqueue_dma source(%dma_start3A_52 : memref<4096xf32, #tpu.memory_space<hbm>>) target(%dma_start3A_50 : memref<4096xf32, #tpu.memory_space<vmem>>) target_semaphore(%arg9 : memref<!tpu.dma_semaphore, #tpu.memory_space<semaphore_mem>>)
        %mul3A_53 = arith.constant 4096 : i32
        %mul3A_54 = arith.muli %mul3A_37, %mul3A_53 : i32
        %dma_wait3A = arith.constant 0 : i32
        %dma_wait3A_55 = arith.constant 0 : i32
        %dma_wait3A_56 = tpu.memref_slice %arg7[%dma_wait3A, %dma_wait3A_55] : memref<2x4096xf32, #tpu.memory_space<vmem>> -> memref<1x4096xf32, #tpu.memory_space<vmem>>
        %dma_wait3A_57 = tpu.memref_squeeze %dma_wait3A_56 : memref<1x4096xf32, #tpu.memory_space<vmem>> -> memref<4096xf32, #tpu.memory_space<vmem>>
        %dma_wait3A_58 = tpu.memref_slice %arg2[%add3A_11, %mul3A_54] : memref<256x65536xf32, #tpu.memory_space<hbm>> -> memref<1x4096xf32, #tpu.memory_space<hbm>>
        %dma_wait3A_59 = tpu.memref_squeeze %dma_wait3A_58 : memref<1x4096xf32, #tpu.memory_space<hbm>> -> memref<4096xf32, #tpu.memory_space<hbm>>
        %dma_wait3A_60 = arith.constant 0 : i32
        %dma_wait3A_61 = tpu.memref_slice %arg7[%dma_wait3A, %dma_wait3A_60] : memref<2x4096xf32, #tpu.memory_space<vmem>> -> memref<1x4096xf32, #tpu.memory_space<vmem>>
        %dma_wait3A_62 = tpu.memref_squeeze %dma_wait3A_61 : memref<1x4096xf32, #tpu.memory_space<vmem>> -> memref<4096xf32, #tpu.memory_space<vmem>>
        %dma_wait3A_63 = tpu.memref_slice %arg2[%add3A_11, %mul3A_54] : memref<256x65536xf32, #tpu.memory_space<hbm>> -> memref<1x4096xf32, #tpu.memory_space<hbm>>
        %dma_wait3A_64 = tpu.memref_squeeze %dma_wait3A_63 : memref<1x4096xf32, #tpu.memory_space<hbm>> -> memref<4096xf32, #tpu.memory_space<hbm>>
        tpu.wait_dma2 semaphore(%arg8 : memref<!tpu.dma_semaphore, #tpu.memory_space<semaphore_mem>>) src(%dma_wait3A_64 : memref<4096xf32, #tpu.memory_space<hbm>>) dst(%dma_wait3A_62 : memref<4096xf32, #tpu.memory_space<vmem>>)
        %mul3A_65 = arith.constant 4096 : i32
        %mul3A_66 = arith.muli %mul3A_37, %mul3A_65 : i32
        %parallel_loop3A_67 = arith.constant 0 : i32
        %parallel_loop3A_68 = arith.constant 256 : i32
        %parallel_loop3A_69 = arith.constant 1 : i32
        scf.for %parallel_loop3A_93 = %parallel_loop3A_67 to %parallel_loop3A_68 step %parallel_loop3A_69  : i32 {
          %parallel_loop3A_94 = arith.constant 16 : i32
          %parallel_loop3A_95 = arith.muli %parallel_loop3A_93, %parallel_loop3A_94 : i32
          %parallel_loop3A_96 = arith.addi %mul3A_66, %parallel_loop3A_95 : i32
          %parallel_loop3A_97 = arith.index_cast %parallel_loop3A_96 : i32 to index
          %parallel_loop3A_98 = tpu.vector_load %arg6[%parallel_loop3A_97] {strides = array<i32>} : memref<65536xi32, #tpu.memory_space<vmem>>, vector<16xi32>,
          %parallel_loop3A_99 = arith.constant 16 : i32
          %parallel_loop3A_100 = arith.muli %parallel_loop3A_93, %parallel_loop3A_99 : i32
          %parallel_loop3A_101 = arith.constant 0 : i32
          %parallel_loop3A_102 = arith.index_cast %parallel_loop3A_101 : i32 to index
          %parallel_loop3A_103 = arith.index_cast %parallel_loop3A_100 : i32 to index
          %parallel_loop3A_104 = tpu.vector_load %arg7[%parallel_loop3A_102, %parallel_loop3A_103] {strides = array<i32>} : memref<2x4096xf32, #tpu.memory_space<vmem>>, vector<16xf32>,
          tpu.vector_store_idx %arg5[%parallel_loop3A_98], %parallel_loop3A_104 {add = true} : memref<50000xf32, #tpu.memory_space<vmem>>[vector<16xi32>], vector<16xf32>,
        } {sc.loop_unroll_factor = 16 : i64, sc.parallel_access}
        %add3A_70 = arith.constant 2 : i32
        %add3A_71 = arith.addi %mul3A_37, %add3A_70 : i32
        %lt3A = arith.constant 16 : i32
        %lt3A_72 = arith.cmpi slt, %add3A_71, %lt3A : i32
        %convert_element_type3A = arith.extui %lt3A_72 : i1 to i32
        %cond3A = arith.constant 0 : i32
        %cond3A_73 = arith.cmpi ne, %convert_element_type3A, %cond3A : i32
        scf.if %cond3A_73 {
          %add3A_93 = arith.constant 2 : i32
          %add3A_94 = arith.addi %mul3A_37, %add3A_93 : i32
          %mul3A_95 = arith.constant 4096 : i32
          %mul3A_96 = arith.muli %add3A_94, %mul3A_95 : i32
          %dma_start3A_97 = arith.constant 0 : i32
          %dma_start3A_98 = arith.constant 0 : i32
          %dma_start3A_99 = tpu.memref_slice %arg7[%dma_start3A_97, %dma_start3A_98] : memref<2x4096xf32, #tpu.memory_space<vmem>> -> memref<1x4096xf32, #tpu.memory_space<vmem>>
          %dma_start3A_100 = tpu.memref_squeeze %dma_start3A_99 : memref<1x4096xf32, #tpu.memory_space<vmem>> -> memref<4096xf32, #tpu.memory_space<vmem>>
          %dma_start3A_101 = tpu.memref_slice %arg2[%add3A_11, %mul3A_96] : memref<256x65536xf32, #tpu.memory_space<hbm>> -> memref<1x4096xf32, #tpu.memory_space<hbm>>
          %dma_start3A_102 = tpu.memref_squeeze %dma_start3A_101 : memref<1x4096xf32, #tpu.memory_space<hbm>> -> memref<4096xf32, #tpu.memory_space<hbm>>
          %dma_start3A_103 = arith.constant 0 : i32
          %dma_start3A_104 = tpu.memref_slice %arg7[%dma_start3A_97, %dma_start3A_103] : memref<2x4096xf32, #tpu.memory_space<vmem>> -> memref<1x4096xf32, #tpu.memory_space<vmem>>
          %dma_start3A_105 = tpu.memref_squeeze %dma_start3A_104 : memref<1x4096xf32, #tpu.memory_space<vmem>> -> memref<4096xf32, #tpu.memory_space<vmem>>
          %dma_start3A_106 = tpu.memref_slice %arg2[%add3A_11, %mul3A_96] : memref<256x65536xf32, #tpu.memory_space<hbm>> -> memref<1x4096xf32, #tpu.memory_space<hbm>>
          %dma_start3A_107 = tpu.memref_squeeze %dma_start3A_106 : memref<1x4096xf32, #tpu.memory_space<hbm>> -> memref<4096xf32, #tpu.memory_space<hbm>>
          tpu.enqueue_dma source(%dma_start3A_107 : memref<4096xf32, #tpu.memory_space<hbm>>) target(%dma_start3A_105 : memref<4096xf32, #tpu.memory_space<vmem>>) target_semaphore(%arg8 : memref<!tpu.dma_semaphore, #tpu.memory_space<semaphore_mem>>)
        } else {
        }
        %dma_wait3A_74 = arith.constant 1 : i32
        %dma_wait3A_75 = arith.constant 0 : i32
        %dma_wait3A_76 = tpu.memref_slice %arg7[%dma_wait3A_74, %dma_wait3A_75] : memref<2x4096xf32, #tpu.memory_space<vmem>> -> memref<1x4096xf32, #tpu.memory_space<vmem>>
        %dma_wait3A_77 = tpu.memref_squeeze %dma_wait3A_76 : memref<1x4096xf32, #tpu.memory_space<vmem>> -> memref<4096xf32, #tpu.memory_space<vmem>>
        %dma_wait3A_78 = tpu.memref_slice %arg2[%add3A_11, %mul3A_41] : memref<256x65536xf32, #tpu.memory_space<hbm>> -> memref<1x4096xf32, #tpu.memory_space<hbm>>
        %dma_wait3A_79 = tpu.memref_squeeze %dma_wait3A_78 : memref<1x4096xf32, #tpu.memory_space<hbm>> -> memref<4096xf32, #tpu.memory_space<hbm>>
        %dma_wait3A_80 = arith.constant 0 : i32
        %dma_wait3A_81 = tpu.memref_slice %arg7[%dma_wait3A_74, %dma_wait3A_80] : memref<2x4096xf32, #tpu.memory_space<vmem>> -> memref<1x4096xf32, #tpu.memory_space<vmem>>
        %dma_wait3A_82 = tpu.memref_squeeze %dma_wait3A_81 : memref<1x4096xf32, #tpu.memory_space<vmem>> -> memref<4096xf32, #tpu.memory_space<vmem>>
        %dma_wait3A_83 = tpu.memref_slice %arg2[%add3A_11, %mul3A_41] : memref<256x65536xf32, #tpu.memory_space<hbm>> -> memref<1x4096xf32, #tpu.memory_space<hbm>>
        %dma_wait3A_84 = tpu.memref_squeeze %dma_wait3A_83 : memref<1x4096xf32, #tpu.memory_space<hbm>> -> memref<4096xf32, #tpu.memory_space<hbm>>
        tpu.wait_dma2 semaphore(%arg9 : memref<!tpu.dma_semaphore, #tpu.memory_space<semaphore_mem>>) src(%dma_wait3A_84 : memref<4096xf32, #tpu.memory_space<hbm>>) dst(%dma_wait3A_82 : memref<4096xf32, #tpu.memory_space<vmem>>)
        %add3A_85 = arith.constant 1 : i32
        %add3A_86 = arith.addi %mul3A_37, %add3A_85 : i32
        %mul3A_87 = arith.constant 4096 : i32
        %mul3A_88 = arith.muli %add3A_86, %mul3A_87 : i32
        %parallel_loop3A_89 = arith.constant 0 : i32
        %parallel_loop3A_90 = arith.constant 256 : i32
        %parallel_loop3A_91 = arith.constant 1 : i32
        scf.for %parallel_loop3A_93 = %parallel_loop3A_89 to %parallel_loop3A_90 step %parallel_loop3A_91  : i32 {
          %parallel_loop3A_94 = arith.constant 16 : i32
          %parallel_loop3A_95 = arith.muli %parallel_loop3A_93, %parallel_loop3A_94 : i32
          %parallel_loop3A_96 = arith.addi %mul3A_88, %parallel_loop3A_95 : i32
          %parallel_loop3A_97 = arith.index_cast %parallel_loop3A_96 : i32 to index
          %parallel_loop3A_98 = tpu.vector_load %arg6[%parallel_loop3A_97] {strides = array<i32>} : memref<65536xi32, #tpu.memory_space<vmem>>, vector<16xi32>,
          %parallel_loop3A_99 = arith.constant 16 : i32
          %parallel_loop3A_100 = arith.muli %parallel_loop3A_93, %parallel_loop3A_99 : i32
          %parallel_loop3A_101 = arith.constant 1 : i32
          %parallel_loop3A_102 = arith.index_cast %parallel_loop3A_101 : i32 to index
          %parallel_loop3A_103 = arith.index_cast %parallel_loop3A_100 : i32 to index
          %parallel_loop3A_104 = tpu.vector_load %arg7[%parallel_loop3A_102, %parallel_loop3A_103] {strides = array<i32>} : memref<2x4096xf32, #tpu.memory_space<vmem>>, vector<16xf32>,
          tpu.vector_store_idx %arg5[%parallel_loop3A_98], %parallel_loop3A_104 {add = true} : memref<50000xf32, #tpu.memory_space<vmem>>[vector<16xi32>], vector<16xf32>,
        } {sc.loop_unroll_factor = 16 : i64, sc.parallel_access}
        %scan3A_92 = arith.constant 0 : i32
        scf.yield %scan3A_92 : i32
      }
      %scan3A_32 = arith.constant 8 : i32
      "tpu.region"() ({
        %run_scoped3A = tpu.sem_alloc : memref<!tpu.dma_semaphore, #tpu.memory_space<semaphore_mem>>
        %dma_start3A_34 = arith.constant 0 : i32
        %dma_start3A_35 = tpu.memref_slice %arg4[%add3A_11, %dma_start3A_34] : memref<256x50000xf32, #tpu.memory_space<hbm>> -> memref<1x50000xf32, #tpu.memory_space<hbm>>
        %dma_start3A_36 = tpu.memref_squeeze %dma_start3A_35 : memref<1x50000xf32, #tpu.memory_space<hbm>> -> memref<50000xf32, #tpu.memory_space<hbm>>
        %dma_start3A_37 = arith.constant 0 : i32
        %dma_start3A_38 = tpu.memref_slice %arg4[%add3A_11, %dma_start3A_37] : memref<256x50000xf32, #tpu.memory_space<hbm>> -> memref<1x50000xf32, #tpu.memory_space<hbm>>
        %dma_start3A_39 = tpu.memref_squeeze %dma_start3A_38 : memref<1x50000xf32, #tpu.memory_space<hbm>> -> memref<50000xf32, #tpu.memory_space<hbm>>
        tpu.enqueue_dma source(%arg5 : memref<50000xf32, #tpu.memory_space<vmem>>) target(%dma_start3A_39 : memref<50000xf32, #tpu.memory_space<hbm>>) target_semaphore(%run_scoped3A : memref<!tpu.dma_semaphore, #tpu.memory_space<semaphore_mem>>)
        %dma_wait3A = arith.constant 0 : i32
        %dma_wait3A_40 = tpu.memref_slice %arg4[%add3A_11, %dma_wait3A] : memref<256x50000xf32, #tpu.memory_space<hbm>> -> memref<1x50000xf32, #tpu.memory_space<hbm>>
        %dma_wait3A_41 = tpu.memref_squeeze %dma_wait3A_40 : memref<1x50000xf32, #tpu.memory_space<hbm>> -> memref<50000xf32, #tpu.memory_space<hbm>>
        %dma_wait3A_42 = arith.constant 0 : i32
        %dma_wait3A_43 = tpu.memref_slice %arg4[%add3A_11, %dma_wait3A_42] : memref<256x50000xf32, #tpu.memory_space<hbm>> -> memref<1x50000xf32, #tpu.memory_space<hbm>>
        %dma_wait3A_44 = tpu.memref_squeeze %dma_wait3A_43 : memref<1x50000xf32, #tpu.memory_space<hbm>> -> memref<50000xf32, #tpu.memory_space<hbm>>
        tpu.wait_dma2 semaphore(%run_scoped3A : memref<!tpu.dma_semaphore, #tpu.memory_space<semaphore_mem>>) src(%arg5 : memref<50000xf32, #tpu.memory_space<vmem>>) dst(%dma_wait3A_44 : memref<50000xf32, #tpu.memory_space<hbm>>)
        tpu.yield
      }) : () -> ()
      %scan3A_33 = arith.constant 0 : i32
      scf.yield %scan3A_33 : i32
    }
    %scan3A_6 = arith.constant 8 : i32
    return
  }
}

module attributes {stable_mosaic.version = 14 : i64} {
  func.func @_sub_transpose_a_body(%arg0: i32, %arg1: memref<256x2048xf32, #tpu.memory_space<vmem>>, %arg2: memref<256x1xf32, #tpu.memory_space<vmem>>, %arg3: memref<256x1xf32, #tpu.memory_space<vmem>>, %arg4: memref<2048x256xf32, #tpu.memory_space<vmem>>) attributes {dimension_semantics = [#tpu.dimension_semantics<arbitrary>], iteration_bounds = array<i64: 25>, scalar_prefetch = 0 : i64, scratch_operands = 0 : i64, tpu.core_type = #tpu.core_type<tc>, window_params = [{transform_indices = @transform_0, window_bounds = array<i64: 256, 2048>}, {pipeline_mode = #tpu.pipeline_mode<synchronous>, transform_indices = @transform_1, window_bounds = array<i64: 256, 1>}, {pipeline_mode = #tpu.pipeline_mode<synchronous>, transform_indices = @transform_2, window_bounds = array<i64: 256, 1>}, {transform_indices = @transform_3, window_bounds = array<i64: 2048, 256>}]} {
    %get3A = arith.constant 0 : index
    %get3A_0 = arith.constant 0 : index
    %get3A_1 = vector.load %arg1[%get3A, %get3A_0] : memref<256x2048xf32, #tpu.memory_space<vmem>>, vector<256x2048xf32>
    %get3A_2 = arith.constant 0 : index
    %get3A_3 = arith.constant 0 : index
    %get3A_4 = vector.load %arg2[%get3A_2, %get3A_3] : memref<256x1xf32, #tpu.memory_space<vmem>>, vector<256x1xf32>
    %get3A_5 = arith.constant 0 : index
    %get3A_6 = arith.constant 0 : index
    %get3A_7 = vector.load %arg3[%get3A_5, %get3A_6] : memref<256x1xf32, #tpu.memory_space<vmem>>, vector<256x1xf32>
    %log3A = math.log %get3A_7 : vector<256x1xf32>
    %add3A = arith.addf %get3A_4, %log3A : vector<256x1xf32>
    %sub3A = vector.broadcast %add3A : vector<256x1xf32> to vector<256x2048xf32>
    %sub3A_8 = arith.subf %get3A_1, %sub3A : vector<256x2048xf32>
    %transpose3A = tpu.transpose %sub3A_8, [1, 0] : vector<256x2048xf32> -> vector<2048x256xf32>
    %swap3A = arith.constant 0 : index
    %swap3A_9 = arith.constant 0 : index
    %swap3A_10 = vector.load %arg4[%swap3A, %swap3A_9] : memref<2048x256xf32, #tpu.memory_space<vmem>>, vector<2048x256xf32>
    tpu.vector_store %arg4[%swap3A, %swap3A_9], %transpose3A {strides = array<i32>} : memref<2048x256xf32, #tpu.memory_space<vmem>>, vector<2048x256xf32>,
    return
  }
  func.func @transform_0(%arg0: i32) -> (i32, i32) {
    %c0_i32 = arith.constant 0 : i32
    %c0_i32_0 = arith.constant 0 : i32
    return %c0_i32, %arg0 : i32, i32
  }
  func.func @transform_1(%arg0: i32) -> (i32, i32) {
    %c0_i32 = arith.constant 0 : i32
    %c0_i32_0 = arith.constant 0 : i32
    %c0_i32_1 = arith.constant 0 : i32
    return %c0_i32, %c0_i32_0 : i32, i32
  }
  func.func @transform_2(%arg0: i32) -> (i32, i32) {
    %c0_i32 = arith.constant 0 : i32
    %c0_i32_0 = arith.constant 0 : i32
    %c0_i32_1 = arith.constant 0 : i32
    return %c0_i32, %c0_i32_0 : i32, i32
  }
  func.func @transform_3(%arg0: i32) -> (i32, i32) {
    %c0_i32 = arith.constant 0 : i32
    %c0_i32_0 = arith.constant 0 : i32
    return %arg0, %c0_i32 : i32, i32
  }
}

module attributes {stable_mosaic.version = 14 : i64} {
  func.func @_lse_body(%arg0: i32, %arg1: memref<256x4096xf32, #tpu.memory_space<vmem>>, %arg2: memref<256x1xf32, #tpu.memory_space<vmem>>, %arg3: memref<256x1xf32, #tpu.memory_space<vmem>>) attributes {dimension_semantics = [#tpu.dimension_semantics<arbitrary>], iteration_bounds = array<i64: 13>, scalar_prefetch = 0 : i64, scratch_operands = 0 : i64, tpu.core_type = #tpu.core_type<tc>, window_params = [{transform_indices = @transform_0, window_bounds = array<i64: 256, 4096>}, {pipeline_mode = #tpu.pipeline_mode<synchronous>, transform_indices = @transform_1, window_bounds = array<i64: 256, 1>}, {pipeline_mode = #tpu.pipeline_mode<synchronous>, transform_indices = @transform_2, window_bounds = array<i64: 256, 1>}]} {
    %get3A = arith.constant 0 : index
    %get3A_0 = arith.constant 0 : index
    %get3A_1 = vector.load %arg1[%get3A, %get3A_0] : memref<256x4096xf32, #tpu.memory_space<vmem>>, vector<256x4096xf32>
    %mul3A = arith.constant 4096 : i32
    %mul3A_2 = arith.muli %arg0, %mul3A : i32
    %iota3A = tpu.iota {dimensions = array<i32: 1>} : vector<256x4096xi32>
    %add3A = vector.broadcast %mul3A_2 : i32 to vector<256x4096xi32>
    %add3A_3 = arith.addi %add3A, %iota3A : vector<256x4096xi32>
    %lt3A = arith.constant 50000 : i32
    %lt3A_4 = vector.broadcast %lt3A : i32 to vector<256x4096xi32>
    %lt3A_5 = arith.cmpi slt, %add3A_3, %lt3A_4 : vector<256x4096xi32>
    %jit3A = arith.constant 0xFF800000 : f32
    %broadcast_in_dim3A = vector.broadcast %jit3A : f32 to vector<256x4096xf32>
    %select_n3A = arith.select %lt3A_5, %get3A_1, %broadcast_in_dim3A : vector<256x4096xi1>, vector<256x4096xf32>
    %reduce_max3A = arith.constant dense<0xFF800000> : vector<256xf32>
    %reduce_max3A_6 = vector.multi_reduction <maximumf>, %select_n3A, %reduce_max3A [1] : vector<256x4096xf32> to vector<256xf32>
    %broadcast_in_dim3A_7 = vector.shape_cast %reduce_max3A_6 : vector<256xf32> to vector<256x1xf32>
    %eq3A = arith.constant 0 : i32
    %eq3A_8 = arith.cmpi eq, %arg0, %eq3A : i32
    %convert_element_type3A = arith.extui %eq3A_8 : i1 to i32
    %cond3A = arith.constant 0 : i32
    %cond3A_9 = arith.cmpi ne, %convert_element_type3A, %cond3A : i32
    scf.if %cond3A_9 {
      %broadcast_in_dim3A_31 = arith.constant 0xFF800000 : f32
      %broadcast_in_dim3A_32 = vector.broadcast %broadcast_in_dim3A_31 : f32 to vector<256x1xf32>
      %swap3A_33 = arith.constant 0 : index
      %swap3A_34 = arith.constant 0 : index
      %swap3A_35 = vector.load %arg2[%swap3A_33, %swap3A_34] : memref<256x1xf32, #tpu.memory_space<vmem>>, vector<256x1xf32>
      tpu.vector_store %arg2[%swap3A_33, %swap3A_34], %broadcast_in_dim3A_32 {strides = array<i32>} : memref<256x1xf32, #tpu.memory_space<vmem>>, vector<256x1xf32>,
      %broadcast_in_dim3A_36 = arith.constant 0.000000e+00 : f32
      %broadcast_in_dim3A_37 = vector.broadcast %broadcast_in_dim3A_36 : f32 to vector<256x1xf32>
      %swap3A_38 = arith.constant 0 : index
      %swap3A_39 = arith.constant 0 : index
      %swap3A_40 = vector.load %arg3[%swap3A_38, %swap3A_39] : memref<256x1xf32, #tpu.memory_space<vmem>>, vector<256x1xf32>
      tpu.vector_store %arg3[%swap3A_38, %swap3A_39], %broadcast_in_dim3A_37 {strides = array<i32>} : memref<256x1xf32, #tpu.memory_space<vmem>>, vector<256x1xf32>,
    } else {
    }
    %get3A_10 = arith.constant 0 : index
    %get3A_11 = arith.constant 0 : index
    %get3A_12 = vector.load %arg2[%get3A_10, %get3A_11] : memref<256x1xf32, #tpu.memory_space<vmem>>, vector<256x1xf32>
    %max3A = arith.maximumf %get3A_12, %broadcast_in_dim3A_7 : vector<256x1xf32>
    %sub3A = vector.broadcast %max3A : vector<256x1xf32> to vector<256x4096xf32>
    %sub3A_13 = arith.subf %get3A_1, %sub3A : vector<256x4096xf32>
    %exp3A = math.exp %sub3A_13 : vector<256x4096xf32>
    %jit3A_14 = arith.constant 0.000000e+00 : f32
    %broadcast_in_dim3A_15 = vector.broadcast %jit3A_14 : f32 to vector<256x4096xf32>
    %select_n3A_16 = arith.select %lt3A_5, %exp3A, %broadcast_in_dim3A_15 : vector<256x4096xi1>, vector<256x4096xf32>
    %reduce_sum3A = arith.constant dense<0.000000e+00> : vector<256xf32>
    %reduce_sum3A_17 = vector.multi_reduction <add>, %select_n3A_16, %reduce_sum3A [1] : vector<256x4096xf32> to vector<256xf32>
    %broadcast_in_dim3A_18 = vector.shape_cast %reduce_sum3A_17 : vector<256xf32> to vector<256x1xf32>
    %get3A_19 = arith.constant 0 : index
    %get3A_20 = arith.constant 0 : index
    %get3A_21 = vector.load %arg3[%get3A_19, %get3A_20] : memref<256x1xf32, #tpu.memory_space<vmem>>, vector<256x1xf32>
    %sub3A_22 = arith.subf %get3A_12, %max3A : vector<256x1xf32>
    %exp3A_23 = math.exp %sub3A_22 : vector<256x1xf32>
    %mul3A_24 = arith.mulf %get3A_21, %exp3A_23 : vector<256x1xf32>
    %add3A_25 = arith.addf %mul3A_24, %broadcast_in_dim3A_18 : vector<256x1xf32>
    %swap3A = arith.constant 0 : index
    %swap3A_26 = arith.constant 0 : index
    %swap3A_27 = vector.load %arg3[%swap3A, %swap3A_26] : memref<256x1xf32, #tpu.memory_space<vmem>>, vector<256x1xf32>
    tpu.vector_store %arg3[%swap3A, %swap3A_26], %add3A_25 {strides = array<i32>} : memref<256x1xf32, #tpu.memory_space<vmem>>, vector<256x1xf32>,
    %swap3A_28 = arith.constant 0 : index
    %swap3A_29 = arith.constant 0 : index
    %swap3A_30 = vector.load %arg2[%swap3A_28, %swap3A_29] : memref<256x1xf32, #tpu.memory_space<vmem>>, vector<256x1xf32>
    tpu.vector_store %arg2[%swap3A_28, %swap3A_29], %max3A {strides = array<i32>} : memref<256x1xf32, #tpu.memory_space<vmem>>, vector<256x1xf32>,
    return
  }
  func.func @transform_0(%arg0: i32) -> (i32, i32) {
    %c0_i32 = arith.constant 0 : i32
    %c0_i32_0 = arith.constant 0 : i32
    return %c0_i32, %arg0 : i32, i32
  }
  func.func @transform_1(%arg0: i32) -> (i32, i32) {
    %c0_i32 = arith.constant 0 : i32
    %c0_i32_0 = arith.constant 0 : i32
    %c0_i32_1 = arith.constant 0 : i32
    return %c0_i32, %c0_i32_0 : i32, i32
  }
  func.func @transform_2(%arg0: i32) -> (i32, i32) {
    %c0_i32 = arith.constant 0 : i32
    %c0_i32_0 = arith.constant 0 : i32
    %c0_i32_1 = arith.constant 0 : i32
    return %c0_i32, %c0_i32_0 : i32, i32
  }
}

module attributes {stable_mosaic.version = 14 : i64} {
  func.func @_kern_body(%arg0: i32, %arg1: memref<256x512xf32, #tpu.memory_space<vmem>>, %arg2: memref<2048x512xf32, #tpu.memory_space<vmem>>, %arg3: memref<256x2048xf32, #tpu.memory_space<vmem>>) attributes {dimension_semantics = [#tpu.dimension_semantics<arbitrary>], iteration_bounds = array<i64: 32>, scalar_prefetch = 0 : i64, scratch_operands = 0 : i64, tpu.core_type = #tpu.core_type<tc>, window_params = [{pipeline_mode = #tpu.pipeline_mode<synchronous>, transform_indices = @transform_0, window_bounds = array<i64: 256, 512>}, {transform_indices = @transform_1, window_bounds = array<i64: 2048, 512>}, {transform_indices = @transform_2, window_bounds = array<i64: 256, 2048>}]} {
    %get3A = arith.constant 0 : index
    %get3A_0 = arith.constant 0 : index
    %get3A_1 = vector.load %arg1[%get3A, %get3A_0] : memref<256x512xf32, #tpu.memory_space<vmem>>, vector<256x512xf32>
    %get3A_2 = arith.constant 0 : index
    %get3A_3 = arith.constant 0 : index
    %get3A_4 = vector.load %arg2[%get3A_2, %get3A_3] : memref<2048x512xf32, #tpu.memory_space<vmem>>, vector<2048x512xf32>
    %mul3A = arith.mulf %get3A_1, %get3A_1 : vector<256x512xf32>
    %reduce_sum3A = arith.constant dense<0.000000e+00> : vector<256xf32>
    %reduce_sum3A_5 = vector.multi_reduction <add>, %mul3A, %reduce_sum3A [1] : vector<256x512xf32> to vector<256xf32>
    %broadcast_in_dim3A = vector.shape_cast %reduce_sum3A_5 : vector<256xf32> to vector<256x1xf32>
    %mul3A_6 = arith.mulf %get3A_4, %get3A_4 : vector<2048x512xf32>
    %reduce_sum3A_7 = arith.constant dense<0.000000e+00> : vector<2048xf32>
    %reduce_sum3A_8 = vector.multi_reduction <add>, %mul3A_6, %reduce_sum3A_7 [1] : vector<2048x512xf32> to vector<2048xf32>
    %broadcast_in_dim3A_9 = vector.shape_cast %reduce_sum3A_8 : vector<2048xf32> to vector<1x2048xf32>
    %convert_element_type3A = arith.truncf %get3A_1 : vector<256x512xf32> to vector<256x512xbf16>
    %convert_element_type3A_10 = arith.truncf %get3A_4 : vector<2048x512xf32> to vector<2048x512xbf16>
    %dot_general3A = arith.constant dense<0.000000e+00> : vector<256x2048xf32>
    %dot_general3A_11 = tpu.matmul %convert_element_type3A, %convert_element_type3A_10, %dot_general3A {dimension_numbers = #tpu.dot_dimension_numbers<[1], [1], [0], [0], [0, 0, 1, 0], [], []>, transpose_lhs_hint = false} : vector<256x512xbf16>, vector<2048x512xbf16>, vector<256x2048xf32> -> vector<256x2048xf32>
    %add3A = vector.broadcast %broadcast_in_dim3A : vector<256x1xf32> to vector<256x2048xf32>
    %add3A_12 = vector.broadcast %broadcast_in_dim3A_9 : vector<1x2048xf32> to vector<256x2048xf32>
    %add3A_13 = arith.addf %add3A, %add3A_12 : vector<256x2048xf32>
    %mul3A_14 = arith.constant 2.000000e+00 : f32
    %mul3A_15 = vector.broadcast %mul3A_14 : f32 to vector<256x2048xf32>
    %mul3A_16 = arith.mulf %mul3A_15, %dot_general3A_11 : vector<256x2048xf32>
    %sub3A = arith.subf %add3A_13, %mul3A_16 : vector<256x2048xf32>
    %max3A = arith.constant 0.000000e+00 : f32
    %max3A_17 = vector.broadcast %max3A : f32 to vector<256x2048xf32>
    %max3A_18 = arith.maximumf %sub3A, %max3A_17 : vector<256x2048xf32>
    %sqrt3A = math.sqrt %max3A_18 : vector<256x2048xf32>
    %mul3A_19 = arith.constant 1.250000e-01 : f32
    %mul3A_20 = vector.broadcast %mul3A_19 : f32 to vector<256x2048xf32>
    %mul3A_21 = arith.mulf %sqrt3A, %mul3A_20 : vector<256x2048xf32>
    %exp3A = math.exp %mul3A_21 : vector<256x2048xf32>
    %swap3A = arith.constant 0 : index
    %swap3A_22 = arith.constant 0 : index
    %swap3A_23 = vector.load %arg3[%swap3A, %swap3A_22] : memref<256x2048xf32, #tpu.memory_space<vmem>>, vector<256x2048xf32>
    tpu.vector_store %arg3[%swap3A, %swap3A_22], %exp3A {strides = array<i32>} : memref<256x2048xf32, #tpu.memory_space<vmem>>, vector<256x2048xf32>,
    return
  }
  func.func @transform_0(%arg0: i32) -> (i32, i32) {
    %c0_i32 = arith.constant 0 : i32
    %c0_i32_0 = arith.constant 0 : i32
    %c0_i32_1 = arith.constant 0 : i32
    return %c0_i32, %c0_i32_0 : i32, i32
  }
  func.func @transform_1(%arg0: i32) -> (i32, i32) {
    %c0_i32 = arith.constant 0 : i32
    %c0_i32_0 = arith.constant 0 : i32
    return %arg0, %c0_i32 : i32, i32
  }
  func.func @transform_2(%arg0: i32) -> (i32, i32) {
    %c0_i32 = arith.constant 0 : i32
    %c0_i32_0 = arith.constant 0 : i32
    return %c0_i32, %arg0 : i32, i32
  }
}

module attributes {stable_mosaic.version = 14 : i64} {
  func.func @_sub_transpose_b_body(%arg0: i32, %arg1: memref<50000x512xf32, #tpu.memory_space<any>>, %arg2: memref<256x2048xf32, #tpu.memory_space<vmem>>, %arg3: memref<256x1xf32, #tpu.memory_space<vmem>>, %arg4: memref<256x1xf32, #tpu.memory_space<vmem>>, %arg5: memref<2048x256xf32, #tpu.memory_space<vmem>>) attributes {dimension_semantics = [#tpu.dimension_semantics<arbitrary>], iteration_bounds = array<i64: 25>, scalar_prefetch = 0 : i64, scratch_operands = 0 : i64, tpu.core_type = #tpu.core_type<tc>, window_params = [{}, {transform_indices = @transform_1, window_bounds = array<i64: 256, 2048>}, {pipeline_mode = #tpu.pipeline_mode<synchronous>, transform_indices = @transform_2, window_bounds = array<i64: 256, 1>}, {pipeline_mode = #tpu.pipeline_mode<synchronous>, transform_indices = @transform_3, window_bounds = array<i64: 256, 1>}, {transform_indices = @transform_4, window_bounds = array<i64: 2048, 256>}]} {
    %get3A = arith.constant 0 : index
    %get3A_0 = arith.constant 0 : index
    %get3A_1 = vector.load %arg2[%get3A, %get3A_0] : memref<256x2048xf32, #tpu.memory_space<vmem>>, vector<256x2048xf32>
    %get3A_2 = arith.constant 0 : index
    %get3A_3 = arith.constant 0 : index
    %get3A_4 = vector.load %arg3[%get3A_2, %get3A_3] : memref<256x1xf32, #tpu.memory_space<vmem>>, vector<256x1xf32>
    %get3A_5 = arith.constant 0 : index
    %get3A_6 = arith.constant 0 : index
    %get3A_7 = vector.load %arg4[%get3A_5, %get3A_6] : memref<256x1xf32, #tpu.memory_space<vmem>>, vector<256x1xf32>
    %log3A = math.log %get3A_7 : vector<256x1xf32>
    %add3A = arith.addf %get3A_4, %log3A : vector<256x1xf32>
    %sub3A = vector.broadcast %add3A : vector<256x1xf32> to vector<256x2048xf32>
    %sub3A_8 = arith.subf %get3A_1, %sub3A : vector<256x2048xf32>
    %transpose3A = tpu.transpose %sub3A_8, [1, 0] : vector<256x2048xf32> -> vector<2048x256xf32>
    %swap3A = arith.constant 0 : index
    %swap3A_9 = arith.constant 0 : index
    %swap3A_10 = vector.load %arg5[%swap3A, %swap3A_9] : memref<2048x256xf32, #tpu.memory_space<vmem>>, vector<2048x256xf32>
    tpu.vector_store %arg5[%swap3A, %swap3A_9], %transpose3A {strides = array<i32>} : memref<2048x256xf32, #tpu.memory_space<vmem>>, vector<2048x256xf32>,
    return
  }
  func.func @transform_1(%arg0: i32) -> (i32, i32) {
    %c0_i32 = arith.constant 0 : i32
    %c0_i32_0 = arith.constant 0 : i32
    return %c0_i32, %arg0 : i32, i32
  }
  func.func @transform_2(%arg0: i32) -> (i32, i32) {
    %c0_i32 = arith.constant 0 : i32
    %c0_i32_0 = arith.constant 0 : i32
    %c0_i32_1 = arith.constant 0 : i32
    return %c0_i32, %c0_i32_0 : i32, i32
  }
  func.func @transform_3(%arg0: i32) -> (i32, i32) {
    %c0_i32 = arith.constant 0 : i32
    %c0_i32_0 = arith.constant 0 : i32
    %c0_i32_1 = arith.constant 0 : i32
    return %c0_i32, %c0_i32_0 : i32, i32
  }
  func.func @transform_4(%arg0: i32) -> (i32, i32) {
    %c1_i32 = arith.constant 1 : i32
    %c0_i32 = arith.constant 0 : i32
    return %arg0, %c1_i32 : i32, i32
  }
}

</mosaic_0001>

<sc_bundles>
// kernel: kernel.10.cloned.1.call-start
scs
__scs_entry_jumppad:
0x0: {  	(pc) =	sbr.rel $0x88, $3  }
0x1: {  	(tag) =	ssettag $0x0;
	lr =	simm.s32 $0x1  }
0x2: {  	[smem:$0x3F9E] =	sst lr;
	_ =	strace $0xD0000000  }
0x3: {  	_ = 	snop  }
0x4: {  	_ = 	snop  }
0x5: {  	_ = 	snop  }
0x6: {  	_ = 	snop  }
0x7: {  	_ = 	snop  }
__scs_overlays_trampoline_lowered:
0x8: {  	[smem:$0x3FAD] =	sst s0  }
0x9: {  	[smem:$0x3FAE] =	sst s1  }
0xa: {  	[smem:$0x3FAF] =	sst s2  }
0xb: {  	[smem:$0x3FB0] =	sst s3  }
0xc: {  	[smem:$0x3FB1] =	sst s4  }
0xd: {  	[smem:$0x3FB2] =	sst s5  }
0xe: {  	[smem:$0x3FB3] =	sst s6  }
0xf: {  	[smem:$0x3FB4] =	sst s7  }
0x10: {  	[smem:$0x3FB5] =	sst s8  }
0x11: {  	[smem:$0x3FB6] =	sst s9;
	s0 =	simm.s32 @!p0 $0x0  }
0x12: {  	s1 =	sld [smem:$0x3F9C];
	s0 =	simm.s32 @p0 $0x1  }
0x13: {  	[smem:$0x3FB7] =	sst s0;
	s0 =	simm.s32 @!p1 $0x0  }
0x14: {  	s2 =	sld [smem:$0x3F9B];
	s0 =	simm.s32 @p1 $0x1  }
0x15: {  	[smem:$0x3FB8] =	sst s0;
	s0 =	simm.s32 @!p2 $0x0  }
0x16: {  	s3 =	sld [smem:$0x3FDB];
	s0 =	simm.s32 @p2 $0x1  }
0x17: {  	s4 =	simm.s32 $0x1BF5;
	[smem:$0x3FBA] =	sst s0  }
0x18: {  	s0 =	sld [smem:$0x3F9D];
	_ =	swait.ge [sflag:s4], $0x0  }
0x19: {  	s7 =	sld [smem:$0x3F9E]  }
0x1a: {  	s8 =	sadd.s32 $0xFFFFE003, lr  }
0x1b: {  	s9 =	sadd.s32 $0xFFFFFEF7, lr;
	s5 =	simm.s32 $0xFFFFFFFF;
	p2 =	slt.u32 s8, $0xFFFFF086  }
0x1c: {  	p1 =	slt.u32 s9, $0xF7A;
	s5 =	simm.s32 @!p2 $0x0  }
0x1d: {  	s5 =	simm.s32 @p1 $0x1;
	p0 =	seq.s32 s7, s2  }
0x1e: {  	s7 =	smul.u32 @!p0 $0xF7A, s2;
	p2 =	seq.s32 @!p0 s5, $0x0  }
0x1f: {  	s9 =	smul.u32 $0xF7A, s1;
	s8 =	simm.s32 @!p0 $0x1BF5;
	p2 =	por !p2, p0  }
0x20: {  	[sflag:s8] =	ssyncset.s32 @!p0 $0xFFFFF086;
	s6 =	sadd.s32 @!p0 s3, s7;
	s7 =	simm.s32 @!p0 $0x108  }
0x21: {  	s3 =	sadd.s32 s3, s9;
	s6 =	sadd.s32 @!p0 $0x88, s6;
	s7 =	simm.s32 @p2 $0x1082  }
0x22: {  	[simem:s7], [sflag:s8] =	dma.local @!p0 [hbm:s6], $0xF7A  }
0x23: {  	s9 =	sor.u32 $0xD0000000, s2;
	s6 =	simm.s32 $0x108;
	_ =	swait.ge @!p0 [sflag:s8], $0x0  }
0x24: {  	s3 =	sadd.s32 $0x88, s3;
	s6 =	simm.s32 @!p1 $0x1082;
	[sflag:s4] =	ssyncset.s32 $0xFFFFF086  }
0x25: {  	[simem:s6], [sflag:s4] =	dma.local [hbm:s3], $0xF7A  }
0x26: {  	[smem:$0x3F9E] =	sst s1;
	(tag) =	ssettag s2;
	_ =	strace s9  }
0x27: {  	s1 =	sld [smem:$0x3FAE]  }
0x28: {  	s2 =	sld [smem:$0x3FAF]  }
0x29: {  	s4 =	sld [smem:$0x3FB1]  }
0x2a: {  	p0 =	seq.s32 s5, $0x0;
	s5 =	sld [smem:$0x3FB2]  }
0x2b: {  	s6 =	sld [smem:$0x3FB3]  }
0x2c: {  	s7 =	sld [smem:$0x3FB4]  }
0x2d: {  	s3 =	simm.s32 $0x108;
	s8 =	sld [smem:$0x3FB5]  }
0x2e: {  	s3 =	simm.s32 @!p0 $0x1082;
	s9 =	sld [smem:$0x3FB6]  }
0x2f: {  	lr =	sadd.s32 s0, s3;
	s0 =	sld [smem:$0x3FAD]  }
0x30: {  	s3 =	sld [smem:$0x3FB0]  }
0x31: {  	[smem:$0x3FB9] =	sst s10  }
0x32: {  	s10 =	sld [smem:$0x3FB7];
	_ =	sdelay $0x3  }
0x33: {  	p0 =	seq.s32 s10, $0x1;
	s10 =	sld [smem:$0x3FB9];
	_ =	sdelay $0x3  }
0x34: {  	[smem:$0x3FB9] =	sst s10  }
0x35: {  	s10 =	sld [smem:$0x3FB8];
	_ =	sdelay $0x3  }
0x36: {  	p1 =	seq.s32 s10, $0x1;
	s10 =	sld [smem:$0x3FB9];
	_ =	sdelay $0x3  }
0x37: {  	[smem:$0x3FB9] =	sst s10  }
0x38: {  	s10 =	sld [smem:$0x3FBA]  }
0x39: {  	_ = 	snop;
	(pc) =	sbr.ind lr, $3  }
0x3a: {  	_ = 	snop  }
0x3b: {  	_ = 	snop  }
0x3c: {  	p2 =	seq.s32 s10, $0x1;
	s10 =	sld [smem:$0x3FB9]  }
0x3d: {  	_ =	shalt  }
0x3e: {  	_ =	shalt  }
0x3f: {  	_ =	shalt  }
0x40: {  	_ =	shalt  }
0x41: {  	_ =	shalt  }
0x42: {  	_ =	shalt  }
0x43: {  	_ =	shalt  }
0x44: {  	_ =	shalt  }
0x45: {  	_ =	shalt  }
0x46: {  	_ =	shalt  }
0x47: {  	_ =	shalt  }
0x48: {  	_ =	shalt  }
0x49: {  	_ =	shalt  }
0x4a: {  	_ =	shalt  }
0x4b: {  	_ =	shalt  }
0x4c: {  	_ =	shalt  }
0x4d: {  	_ =	shalt  }
0x4e: {  	_ =	shalt  }
0x4f: {  	_ =	shalt  }
0x50: {  	_ =	shalt  }
0x51: {  	_ =	shalt  }
0x52: {  	_ =	shalt  }
0x53: {  	_ =	shalt  }
0x54: {  	_ =	shalt  }
0x55: {  	_ =	shalt  }
0x56: {  	_ =	shalt  }
0x57: {  	_ =	shalt  }
0x58: {  	_ =	shalt  }
0x59: {  	_ =	shalt  }
0x5a: {  	_ =	shalt  }
0x5b: {  	_ =	shalt  }
0x5c: {  	_ =	shalt  }
0x5d: {  	_ =	shalt  }
0x5e: {  	_ =	shalt  }
0x5f: {  	_ =	shalt  }
0x60: {  	_ =	shalt  }
0x61: {  	_ =	shalt  }
0x62: {  	_ =	shalt  }
0x63: {  	_ =	shalt  }
0x64: {  	_ =	shalt  }
0x65: {  	_ =	shalt  }
0x66: {  	_ =	shalt  }
0x67: {  	_ =	shalt  }
0x68: {  	_ =	shalt  }
0x69: {  	_ =	shalt  }
0x6a: {  	_ =	shalt  }
0x6b: {  	_ =	shalt  }
0x6c: {  	_ =	shalt  }
0x6d: {  	_ =	shalt  }
0x6e: {  	_ =	shalt  }
0x6f: {  	_ =	shalt  }
0x70: {  	_ =	shalt  }
0x71: {  	_ =	shalt  }
0x72: {  	_ =	shalt  }
0x73: {  	_ =	shalt  }
0x74: {  	_ =	shalt  }
0x75: {  	_ =	shalt  }
0x76: {  	_ =	shalt  }
0x77: {  	_ =	shalt  }
0x78: {  	_ =	shalt  }
0x79: {  	_ =	shalt  }
0x7a: {  	_ =	shalt  }
0x7b: {  	_ =	shalt  }
0x7c: {  	_ =	shalt  }
0x7d: {  	_ =	shalt  }
0x7e: {  	_ =	shalt  }
0x7f: {  	_ =	shalt  }
0x80: {  	_ =	shalt  }
0x81: {  	_ =	shalt  }
0x82: {  	_ =	shalt  }
0x83: {  	_ =	shalt  }
0x84: {  	_ =	shalt  }
0x85: {  	_ =	shalt  }
0x86: {  	_ =	shalt  }
0x87: {  	_ =	shalt  }
.Lfunc_end0:
.L_simem_size_0:
called_computation_lowered:
.L_overlay_start_0:
0x88: {  	s2 =	sld [smem:$0x3FD9]  }
0x89: {  	s3 =	sld [smem:$0x3FFE];
	_ =	sdelay $0x1  }
0x8a: {  	s1 =	srdreg.scid  }
0x8b: {  	s0 =	sand.u32 $0x1, s1  }
0x8c: {  	s17 =	sshll.u32 s0, $0xA;
	s2 =	sadd.s32 s3, s2  }
0x8d: {  	s2 =	sadd.s32 s2, s17  }
0x8e: {  	[smem:$0x3FC5] =	sst s2  }
0x8f: {  	_ = 	snop  }
0x90: {  	s2 =	sld [smem:$0x3FC7]  }
0x91: {  	s18 =	sld [smem:$0x3FD0];
	(tm) =	ssettm $0x1  }
0x92: {  	s4 =	sld [smem:$0x3FFB];
	_ =	sdelay $0x3  }
0x93: {  	_ =	strace s4  }
0x94: {  	s4 =	sld [smem:$0x3FFC];
	_ =	sdelay $0x3  }
0x95: {  	_ =	strace s4  }
0x96: {  	s4 =	sld [smem:$0x3FFD];
	_ =	sdelay $0x3  }
0x97: {  	_ =	strace s4  }
0x98: {  	_ =	strace $0x8FFFFFFF  }
0x99: {  	s19 =	sld [smem:$0x3FDB];
	_ =	sdelay $0x1  }
0x9a: {  	s5 =	simm.s32 $_scs_section_size  }
0x9b: {  	s6 =	simm.s32 $_size__tile_overlayer_lowered;
	s7 =	simm.s32 $_tile_overlayer_lowered  }
0x9c: {  	s22 =	simm.s32 $0x1BFF;
	s21 =	sshll.u32 s7, $0x1;
	s4 =	sadd.s32 s5, s19  }
0x9d: {  	s8 =	simm.s32 $0x0;
	s20 =	sshll.u32 s6, $0x1;
	s6 =	sadd.s32 s21, s4  }
0x9e: {  	[timem:s8], [sflag:s22] =	dma.local [hbm:s6], s20  }
0x9f: {  	_ =	swait.ge [sflag:s22], s20  }
0xa0: {  	s5 =	ssub.s32 $0x0, s20;
	[sflag:s22] =	ssyncset.done $0x0  }
0xa1: {  	[sflag:s22] =	ssyncadd.s32 s5;
	_ =	sdelay $0x1  }
0xa2: {  	s23 =	simm.s32 $0x1B8B  }
0xa3: {  	_ =	swait.ge [sflag:s23], $0x1  }
0xa4: {  	[sflag:s23] =	ssyncset.done $0x0  }
0xa5: {  	s25 =	simm.s32 $0x1B8E;
	s24 =	sld [smem:$0x3FFE];
	[sflag:s23] =	ssyncadd.s32 $0xFFFFFFFF  }
0xa6: {  	s26 =	simm.s32 $execute0_lowered;
	[smem:$0x3FD2] =	sst s25  }
0xa7: {  	s6 =	sshll.u32 s26, $0x1;
	_ =	strace $0x80000046;
	[dreg:$0x1] =	wrdreg $0xFFFFFFFF  }
0xa8: {  	s28 =	simm.s32 $_size_execute0_lowered;
	s4 =	sadd.s32 s4, s6;
	[dreg:$0x0] =	wrdreg $0x0  }
0xa9: {  	s6 =	sshll.u32 s28, $0x1;
	[dreg:$0x2] =	wrdreg s4  }
0xaa: {  	[dreg:$0x3] =	wrdreg s6  }
0xab: {  	[dreg:$0x4] =	wrdreg $0xC0  }
0xac: {  	_ =	task [dreg:s8], $0x5FFFF  }
0xad: {  	[dreg:$0x1] =	wrdreg $0xFFFFFFFF  }
0xae: {  	[dreg:$0x0] =	wrdreg $0x60  }
0xaf: {  	[dreg:$0x2] =	wrdreg s18  }
0xb0: {  	[dreg:$0x3] =	wrdreg s2  }
0xb1: {  	[dreg:$0x4] =	wrdreg s24  }
0xb2: {  	[dreg:$0x5] =	wrdreg $0x9  }
0xb3: {  	_ =	task.clear_ibuf [dreg:s8], $0x6FFFF;
	_ =	strace $0x90000046  }
0xb4: {  	s29 =	simm.s32 $0x9;
	_ =	strace $0x80000048  }
0xb5: {  	_ =	swait.ge [sflag:s29], $0x1  }
0xb6: {  	[sflag:s29] =	ssyncadd.s32 $0xFFFFFFFF  }
0xb7: {  	_ =	strace $0x90000048  }
0xb8: {  	_ =	sfence  }
0xb9: {  	s30 =	sld [smem:$0x0];
	_ =	sdelay $0x2  }
0xba: {  	s31 =	sshll.u32 s1, $0xD;
	s1 =	sshrl.u32 s1, $0x2  }
0xbb: {  	s3 =	sand.u32 $0x4000, s31;
	s1 =	sadd.s32 s1, s30  }
0xbc: {  	s0 =	sor.u32 s3, s0;
	s1 =	sshll.u32 s1, $0x11  }
0xbd: {  	s0 =	sor.u32 s1, s0  }
0xbe: {  	s0 =	sadd.s32 $0x8F2B, s0  }
0xbf: {  	[sflag:s0] =	ssyncadd.remote.s32 $0x1  }
0xc0: {  	_ =	sfence.sel $0xFFFF  }
0xc1: {  	[dreg:$0x0] =	wrdreg $0xFFFFFFFF;
	(pc) =	sbr.abs _section_cstart, $3  }
0xc2: {  	[dreg:$0x1] =	wrdreg $0xFFFFFFFF  }
0xc3: {  	_ =	task.clear_ibuf [dreg:s8], $0x2FFFF;
	_ =	strace $0x9FFFFFFF  }
0xc4: {  	(tm) =	ssettm $0x7FFFFFFF  }
0xc5: {  	_ =	shalt  }
tec
execute0_lowered:
.L_overlay_start_1:
0x0: {  	(tag) =	ssettag $0x1  }
0x1: {  	s1 =	rddreg [dreg:$0x0]  }
0x2: {  	s3 =	rddreg [dreg:$0x1]  }
0x3: {  	s6 =	rddreg [dreg:$0x2]  }
0x4: {  	s0 =	rddreg [dreg:$0x3]  }
0x5: {  	s5 =	srdreg.scid;
	s2 =	stileid.u32  }
0x6: {  	s4 =	simm.s32 $0x0;
	s11 =	simm.s32 $0x3;
	s12 =	simm.s32 $0x1  }
0x7: {  	s13 =	simm.s32 $0x2;
	s14 =	simm.s32 $0x80;
	s15 =	simm.s32 $0x400  }
0x8: {  	s16 =	simm.s32 $0x0;
	s5 =	sand.u32 $0x1, s5;
	s7 =	sshll.u32 s2, $0x1  }
0x9: {  	[smem:$0x7FF] =	sst s4;
	s8 =	ssub.s32 $0x2, s5;
	s9 =	sor.u32 s5, s7  }
0xa: {  	s6 =	sadd.s32 $0x5000, s6;
	s31 =	sshrl.u32 s8, $0x1;
	s5 =	sshll.u32 s9, $0x13  }
0xb: {  	_ =	strace $0x80000047;
	s10 =	ssub.s32 s8, s31;
	s7 =	sor.u32 $0x10000, s5  }
0xc: {  	v0 =	vimm.f32 $0.0e+00;
	s8 =	smul.u32 $0x61C00, s9;
	s9 =	smax.u32 s10, $0x1;
	s10 =	simm.s32 $0xC380  }
.LBB2_1:
0xd: {  	[tilespmem:s10], [sflag:$0x3] =	stream.linear.gather [hbm4b:s3+s4], $0x10000, $0x38;
	[tilespmem:$0x1E380] =	vst v63  }
0xe: {  	_ =	swait.ge [sflag:s11], $0x10000  }
0xf: {  	[sflag:s11] =	ssyncset.done $0x0  }
0x10: {  	s17 =	simm.s32 $0x0;
	[sflag:s11] =	ssyncadd.s32 $0xFFFF0000  }
.LBB2_2:
0x11: {  	s18 =	sshll.u32 s17, $0x7  }
0x12: {  	s19 =	sor.u32 s5, s18  }
0x13: {  	s19 =	sshrl.u32 s19, $0x3  }
0x14: {  	s20 =	simm.s32 $0x0;
	s21 =	simm.s32 $0x1C380;
	s19 =	sadd.s32 s1, s19  }
.LBB2_3:
0x15: {  	p0 =	sne.s32 s20, $0xF80  }
.Ltmp0:
0x16: {  	_ = 	snop;
	(pc) =	sbr.rel @p0 .LBB2_3-.Ltmp0, $4  }
0x17: {  	_ = 	snop  }
0x18: {  	s22 =	sadd.s32 s20, s19  }
0x19: {  	[tilespmem:s21], [sflag:$0x1] =	stream.linear.gather [hbm4b:s22+s4], $0x80, $0x38;
	[tilespmem:$0x1E380] =	vst v63  }
0x1a: {  	s20 =	sadd.s32 $0x80, s20;
	s21 =	sadd.s32 $0x100, s21  }
0x1b: {  	s19 =	simm.s32 $0x80  }
0x1c: {  	[tilespmem:s19+$0xFFFFFF80] =	vst v0  }
0x1d: {  	[tilespmem:s19+$0x70] =	vst v0  }
0x1e: {  	[tilespmem:s19+$0x60] =	vst v0  }
0x1f: {  	[tilespmem:s19+$0x50] =	vst v0  }
0x20: {  	[tilespmem:s19+$0x40] =	vst v0  }
0x21: {  	[tilespmem:s19+$0x30] =	vst v0  }
0x22: {  	[tilespmem:s19+$0x20] =	vst v0  }
0x23: {  	[tilespmem:s19+$0x10] =	vst v0  }
0x24: {  	[tilespmem:s19+$0x0] =	vst v0  }
0x25: {  	[tilespmem:s19+$0xFFFFFFF0] =	vst v0  }
0x26: {  	[tilespmem:s19+$0xFFFFFFE0] =	vst v0  }
0x27: {  	[tilespmem:s19+$0xFFFFFFD0] =	vst v0  }
0x28: {  	[tilespmem:s19+$0xFFFFFFC0] =	vst v0  }
0x29: {  	[tilespmem:s19+$0xFFFFFFB0] =	vst v0  }
0x2a: {  	s20 =	simm.s32 $0x0;
	[tilespmem:s19+$0xFFFFFFA0] =	vst v0  }
.LBB2_5:
0x2b: {  	s20 =	sadd.s32 $0x10, s20;
	[tilespmem:s19+$0xFFFFFF90] =	vst v0;
	s19 =	sadd.s32 $0x100, s19  }
0x2c: {  	[tilespmem:s19+$0xFFFFFF80] =	vst v0;
	p0 =	slt.u32 s20, $0xC20  }
0x2d: {  	[tilespmem:s19+$0x70] =	vst v0  }
0x2e: {  	[tilespmem:s19+$0x60] =	vst v0  }
0x2f: {  	[tilespmem:s19+$0x50] =	vst v0  }
0x30: {  	[tilespmem:s19+$0x40] =	vst v0  }
0x31: {  	[tilespmem:s19+$0x30] =	vst v0  }
0x32: {  	[tilespmem:s19+$0x20] =	vst v0  }
0x33: {  	[tilespmem:s19+$0x10] =	vst v0  }
0x34: {  	[tilespmem:s19+$0x0] =	vst v0  }
0x35: {  	[tilespmem:s19+$0xFFFFFFF0] =	vst v0  }
.Ltmp1:
0x36: {  	[tilespmem:s19+$0xFFFFFFE0] =	vst v0;
	(pc) =	sbr.rel @p0 .LBB2_5-.Ltmp1, $4  }
0x37: {  	[tilespmem:s19+$0xFFFFFFD0] =	vst v0  }
0x38: {  	[tilespmem:s19+$0xFFFFFFC0] =	vst v0  }
0x39: {  	[tilespmem:s19+$0xFFFFFFB0] =	vst v0  }
0x3a: {  	[tilespmem:s19+$0xFFFFFFA0] =	vst v0  }
0x3b: {  	[tilespmem:s19+$0xFFFFFF90] =	vst v0;
	s19 =	simm.s32 $0x0  }
.LBB2_7:
0x3c: {  	p0 =	seq.s32 s19, $0x100  }
.Ltmp2:
0x3d: {  	_ = 	snop;
	(pc) =	sbr.rel @!p0 .LBB2_7-.Ltmp2, $3  }
0x3e: {  	_ =	sdelay $0x1  }
0x3f: {  	s20 =	sshra.s32 s19, $0x2  }
0x40: {  	s19 =	sadd.s32 $0x40, s19;
	[tilespmem:s20+$0xC300] =	vst v0  }
0x41: {  	s19 =	sadd.s32 s18, s5  }
0x42: {  	s21 =	simm.s32 $0x0;
	s22 =	simm.s32 $0xC400;
	s20 =	sshrl.u32 s19, $0x3  }
0x43: {  	s23 =	simm.s32 $0xD470;
	s19 =	sadd.s32 s18, s7;
	s20 =	sadd.s32 s1, s20  }
.LBB2_9:
0x44: {  	s24 =	sshll.u32 s21, $0xD  }
0x45: {  	s24 =	sadd.s32 s24, s20  }
0x46: {  	s25 =	simm.s32 $0x1C400;
	s24 =	sadd.s32 $0x1000, s24  }
0x47: {  	s26 =	simm.s32 $0x80;
	s28 =	simm.s32 $0x1C500;
	s29 =	sadd.s32 $0x0, s24  }
.LBB2_10:
0x48: {  	[tilespmem:s25], [sflag:$0x2] =	stream.linear.gather [hbm4b:s29+s4], $0x80, $0x38;
	[tilespmem:$0x1E380] =	vst v63  }
0x49: {  	s29 =	smov.u32 s26;
	s25 =	smov.u32 s28;
	p0 =	sne.s32 s26, $0xF80  }
.Ltmp3:
0x4a: {  	s26 =	sadd.s32 $0x80, s26;
	(pc) =	sbr.rel @p0 .LBB2_10-.Ltmp3, $2  }
0x4b: {  	_ =	sdelay $0x2  }
0x4c: {  	s28 =	sadd.s32 $0x100, s28;
	s29 =	sadd.s32 s29, s24  }
0x4d: {  	[tilespmem:s25], [sflag:$0x2] =	stream.linear.gather [hbm4b:s29+s4], $0x80, $0x38;
	[tilespmem:$0x1E380] =	vst v63  }
0x4e: {  	_ =	swait.ge [sflag:s12], $0x1000  }
0x4f: {  	[sflag:s12] =	ssyncset.done $0x0  }
0x50: {  	[sflag:s12] =	ssyncadd.s32 $0xFFFFF000  }
0x51: {  	v1 =	vld [tilespmem:s22+$0x70]  }
0x52: {  	v2 =	vld [tilespmem:s22+$0xFFFFFF90]  }
0x53: {  	s24 =	simm.s32 $0x1C480;
	v3 =	vld [tilespmem:s22+$0xFFFFFFA0]  }
0x54: {  	v4 =	vld [tilespmem:s24+$0x70]  }
0x55: {  	v5 =	vld [tilespmem:s22+$0xFFFFFFB0]  }
0x56: {  	v6 =	vld [tilespmem:s22+$0xFFFFFFC0]  }
0x57: {  	v7 =	vld [tilespmem:s22+$0xFFFFFFD0]  }
0x58: {  	v8 =	vld [tilespmem:s22+$0xFFFFFFE0]  }
0x59: {  	v63 =	vld [tilespmem:s22+$0x0]  }
0x5a: {  	v9 =	vld [tilespmem:s22+$0x10]  }
0x5b: {  	v10 =	vld [tilespmem:s22+$0x20]  }
0x5c: {  	v11 =	vld [tilespmem:s22+$0x30]  }
0x5d: {  	v12 =	vld [tilespmem:s22+$0x40]  }
0x5e: {  	v13 =	vld [tilespmem:s22+$0x50]  }
0x5f: {  	v14 =	vld [tilespmem:s22+$0x60]  }
0x60: {  	v15 =	vld [tilespmem:s22+$0xFFFFFF80]  }
0x61: {  	v16 =	vld [tilespmem:s24+$0xFFFFFF00]  }
0x62: {  	v17 =	vld [tilespmem:s24+$0xFFFFFF10]  }
0x63: {  	v18 =	vld [tilespmem:s24+$0xFFFFFF20]  }
0x64: {  	v19 =	vld [tilespmem:s24+$0xFFFFFF30]  }
0x65: {  	v20 =	vld [tilespmem:s24+$0xFFFFFF40]  }
0x66: {  	v21 =	vld [tilespmem:s24+$0xFFFFFF50]  }
0x67: {  	v22 =	vld [tilespmem:s24+$0xFFFFFF60]  }
0x68: {  	v23 =	vld [tilespmem:s24+$0xFFFFFF70]  }
0x69: {  	v24 =	vld [tilespmem:s24+$0x0]  }
0x6a: {  	v25 =	vld [tilespmem:s24+$0x10]  }
0x6b: {  	v26 =	vld [tilespmem:s24+$0x20]  }
0x6c: {  	v27 =	vld [tilespmem:s24+$0x30]  }
0x6d: {  	v28 =	vld [tilespmem:s24+$0x40]  }
0x6e: {  	v29 =	vld [tilespmem:s24+$0x50]  }
0x6f: {  	v30 =	vld [tilespmem:s24+$0x60]  }
0x70: {  	[tilespmem:v1+s4+$0x0] =	vst.idx.add.f32.msk $0xffff, v4  }
0x71: {  	v1 =	vld [tilespmem:s22+$0xFFFFFFF0]  }
0x72: {  	[tilespmem:v15+s4+$0x0] =	vst.idx.add.f32.msk $0xffff, v16  }
0x73: {  	[tilespmem:v2+s4+$0x0] =	vst.idx.add.f32.msk $0xffff, v17  }
0x74: {  	[tilespmem:v3+s4+$0x0] =	vst.idx.add.f32.msk $0xffff, v18  }
0x75: {  	[tilespmem:v5+s4+$0x0] =	vst.idx.add.f32.msk $0xffff, v19  }
0x76: {  	[tilespmem:v6+s4+$0x0] =	vst.idx.add.f32.msk $0xffff, v20  }
0x77: {  	[tilespmem:v7+s4+$0x0] =	vst.idx.add.f32.msk $0xffff, v21  }
0x78: {  	[tilespmem:v8+s4+$0x0] =	vst.idx.add.f32.msk $0xffff, v22  }
0x79: {  	[tilespmem:v63+s4+$0x0] =	vst.idx.add.f32.msk $0xffff, v24  }
0x7a: {  	[tilespmem:v9+s4+$0x0] =	vst.idx.add.f32.msk $0xffff, v25  }
0x7b: {  	[tilespmem:v10+s4+$0x0] =	vst.idx.add.f32.msk $0xffff, v26  }
0x7c: {  	[tilespmem:v11+s4+$0x0] =	vst.idx.add.f32.msk $0xffff, v27  }
0x7d: {  	[tilespmem:v12+s4+$0x0] =	vst.idx.add.f32.msk $0xffff, v28  }
0x7e: {  	[tilespmem:v13+s4+$0x0] =	vst.idx.add.f32.msk $0xffff, v29  }
0x7f: {  	[tilespmem:v14+s4+$0x0] =	vst.idx.add.f32.msk $0xffff, v30  }
0x80: {  	s25 =	simm.s32 $0x0;
	s26 =	sadd.s32 $0x100, s22;
	[tilespmem:v1+s4+$0x0] =	vst.idx.add.f32.msk $0xffff, v23  }
.LBB2_12:
0x81: {  	v1 =	vld [tilespmem:s26+$0x70];
	s25 =	sadd.s32 $0x10, s25  }
0x82: {  	v2 =	vld [tilespmem:s26+$0xFFFFFF90];
	p0 =	slt.u32 s25, $0xF0  }
0x83: {  	s24 =	sadd.s32 $0x200, s24;
	v3 =	vld [tilespmem:s26+$0xFFFFFFA0]  }
0x84: {  	v4 =	vld [tilespmem:s24+$0x70]  }
0x85: {  	v5 =	vld [tilespmem:s26+$0xFFFFFFB0]  }
0x86: {  	v6 =	vld [tilespmem:s26+$0xFFFFFFC0]  }
0x87: {  	v7 =	vld [tilespmem:s26+$0xFFFFFFD0]  }
0x88: {  	v8 =	vld [tilespmem:s26+$0xFFFFFFE0]  }
0x89: {  	[tilespmem:v1+s4+$0x0] =	vst.idx.add.f32.msk $0xffff, v4  }
0x8a: {  	v1 =	vld [tilespmem:s26+$0xFFFFFFF0]  }
0x8b: {  	v4 =	vld [tilespmem:s26+$0x0]  }
0x8c: {  	v9 =	vld [tilespmem:s26+$0x10]  }
0x8d: {  	v10 =	vld [tilespmem:s26+$0x20]  }
0x8e: {  	v11 =	vld [tilespmem:s26+$0x30]  }
0x8f: {  	v12 =	vld [tilespmem:s26+$0x40]  }
0x90: {  	v13 =	vld [tilespmem:s26+$0x50]  }
0x91: {  	v14 =	vld [tilespmem:s26+$0x60]  }
0x92: {  	v15 =	vld [tilespmem:s26+$0xFFFFFF80]  }
0x93: {  	v16 =	vld [tilespmem:s24+$0xFFFFFF00]  }
0x94: {  	v17 =	vld [tilespmem:s24+$0xFFFFFF10]  }
0x95: {  	v18 =	vld [tilespmem:s24+$0xFFFFFF20]  }
0x96: {  	v19 =	vld [tilespmem:s24+$0xFFFFFF30]  }
0x97: {  	v20 =	vld [tilespmem:s24+$0xFFFFFF40]  }
0x98: {  	v21 =	vld [tilespmem:s24+$0xFFFFFF50]  }
0x99: {  	v22 =	vld [tilespmem:s24+$0xFFFFFF60]  }
0x9a: {  	v23 =	vld [tilespmem:s24+$0xFFFFFF70]  }
0x9b: {  	v24 =	vld [tilespmem:s24+$0x0]  }
0x9c: {  	v25 =	vld [tilespmem:s24+$0x10]  }
0x9d: {  	v26 =	vld [tilespmem:s24+$0x20]  }
0x9e: {  	v27 =	vld [tilespmem:s24+$0x30]  }
0x9f: {  	v28 =	vld [tilespmem:s24+$0x40]  }
0xa0: {  	v29 =	vld [tilespmem:s24+$0x50]  }
0xa1: {  	v30 =	vld [tilespmem:s24+$0x60]  }
0xa2: {  	[tilespmem:v15+s4+$0x0] =	vst.idx.add.f32.msk $0xffff, v16  }
0xa3: {  	[tilespmem:v2+s4+$0x0] =	vst.idx.add.f32.msk $0xffff, v17  }
0xa4: {  	[tilespmem:v3+s4+$0x0] =	vst.idx.add.f32.msk $0xffff, v18  }
0xa5: {  	[tilespmem:v5+s4+$0x0] =	vst.idx.add.f32.msk $0xffff, v19  }
0xa6: {  	[tilespmem:v6+s4+$0x0] =	vst.idx.add.f32.msk $0xffff, v20  }
0xa7: {  	[tilespmem:v7+s4+$0x0] =	vst.idx.add.f32.msk $0xffff, v21  }
0xa8: {  	[tilespmem:v8+s4+$0x0] =	vst.idx.add.f32.msk $0xffff, v22  }
0xa9: {  	[tilespmem:v1+s4+$0x0] =	vst.idx.add.f32.msk $0xffff, v23  }
0xaa: {  	[tilespmem:v4+s4+$0x0] =	vst.idx.add.f32.msk $0xffff, v24  }
0xab: {  	[tilespmem:v9+s4+$0x0] =	vst.idx.add.f32.msk $0xffff, v25  }
.Ltmp4:
0xac: {  	[tilespmem:v10+s4+$0x0] =	vst.idx.add.f32.msk $0xffff, v26;
	(pc) =	sbr.rel @p0 .LBB2_12-.Ltmp4, $4  }
0xad: {  	[tilespmem:v11+s4+$0x0] =	vst.idx.add.f32.msk $0xffff, v27  }
0xae: {  	[tilespmem:v12+s4+$0x0] =	vst.idx.add.f32.msk $0xffff, v28  }
0xaf: {  	[tilespmem:v13+s4+$0x0] =	vst.idx.add.f32.msk $0xffff, v29  }
0xb0: {  	s26 =	sadd.s32 $0x100, s26;
	[tilespmem:v14+s4+$0x0] =	vst.idx.add.f32.msk $0xffff, v30  }
0xb1: {  	p0 =	seq.s32 s21, $0x7  }
.Ltmp5:
0xb2: {  	_ = 	snop;
	(pc) =	sbr.rel @p0 .LBB2_17-.Ltmp5, $1  }
0xb3: {  	_ =	sdelay $0x3  }
0xb4: {  	s24 =	sshll.u32 s21, $0x10  }
0xb5: {  	s24 =	sadd.s32 s24, s19  }
0xb6: {  	s24 =	sshrl.u32 s24, $0x3  }
0xb7: {  	s25 =	simm.s32 $0x1C380;
	s24 =	sadd.s32 s1, s24  }
0xb8: {  	s26 =	simm.s32 $0x80;
	s28 =	simm.s32 $0x1C480;
	s29 =	sadd.s32 $0x0, s24  }
.LBB2_15:
0xb9: {  	[tilespmem:s25], [sflag:$0x1] =	stream.linear.gather [hbm4b:s29+s4], $0x80, $0x38;
	[tilespmem:$0x1E380] =	vst v63  }
0xba: {  	s29 =	smov.u32 s26;
	s25 =	smov.u32 s28;
	p0 =	sne.s32 s26, $0xF80  }
.Ltmp6:
0xbb: {  	s26 =	sadd.s32 $0x80, s26;
	(pc) =	sbr.rel @p0 .LBB2_15-.Ltmp6, $2  }
0xbc: {  	_ =	sdelay $0x2  }
0xbd: {  	s28 =	sadd.s32 $0x100, s28;
	s29 =	sadd.s32 s29, s24  }
0xbe: {  	[tilespmem:s25], [sflag:$0x1] =	stream.linear.gather [hbm4b:s29+s4], $0x80, $0x38;
	[tilespmem:$0x1E380] =	vst v63  }
.LBB2_17:
0xbf: {  	_ =	swait.ge [sflag:s13], $0x1000  }
0xc0: {  	[sflag:s13] =	ssyncset.done $0x0  }
0xc1: {  	s24 =	simm.s32 $0x1C470;
	[sflag:s13] =	ssyncadd.s32 $0xFFFFF000  }
0xc2: {  	v1 =	vld [tilespmem:s24+$0xFFFFFF90]  }
0xc3: {  	v2 =	vld [tilespmem:s24+$0xFFFFFFA0]  }
0xc4: {  	v3 =	vld [tilespmem:s24+$0xFFFFFFB0]  }
0xc5: {  	v4 =	vld [tilespmem:s24+$0xFFFFFFC0]  }
0xc6: {  	v5 =	vld [tilespmem:s24+$0xFFFFFFD0]  }
0xc7: {  	v6 =	vld [tilespmem:s24+$0xFFFFFFE0]  }
0xc8: {  	v7 =	vld [tilespmem:s24+$0xFFFFFFF0]  }
0xc9: {  	v8 =	vld [tilespmem:s24+$0x0]  }
0xca: {  	v9 =	vld [tilespmem:s24+$0x90]  }
0xcb: {  	v10 =	vld [tilespmem:s24+$0xA0]  }
0xcc: {  	v11 =	vld [tilespmem:s24+$0xB0]  }
0xcd: {  	v12 =	vld [tilespmem:s24+$0xC0]  }
0xce: {  	v13 =	vld [tilespmem:s24+$0xD0]  }
0xcf: {  	v14 =	vld [tilespmem:s24+$0xE0]  }
0xd0: {  	v15 =	vld [tilespmem:s23+$0x0]  }
0xd1: {  	v16 =	vld [tilespmem:s23+$0xFFFFFF20]  }
0xd2: {  	v17 =	vld [tilespmem:s23+$0xFFFFFF30]  }
0xd3: {  	v19 =	vld [tilespmem:s23+$0xFFFFFF40]  }
0xd4: {  	v20 =	vld [tilespmem:s23+$0xFFFFFF50]  }
0xd5: {  	v21 =	vld [tilespmem:s23+$0xFFFFFF60]  }
0xd6: {  	v22 =	vld [tilespmem:s23+$0xFFFFFF70]  }
0xd7: {  	v62 =	vld [tilespmem:s23+$0xFFFFFF80]  }
0xd8: {  	v63 =	vld [tilespmem:s23+$0xFFFFFF90]  }
0xd9: {  	v23 =	vld [tilespmem:s23+$0xFFFFFFA0]  }
0xda: {  	v24 =	vld [tilespmem:s23+$0xFFFFFFB0]  }
0xdb: {  	s24 =	simm.s32 $0x1E0;
	v25 =	vld [tilespmem:s23+$0xFFFFFFC0]  }
0xdc: {  	v26 =	vld [tilespmem:s23+$0xFFFFFFD0];
	s25 =	sor.u32 $0x70, s24  }
0xdd: {  	v18 =	vld [tilespmem:s25+$0x1C380]  }
0xde: {  	v27 =	vld [tilespmem:s23+$0xFFFFFFE0]  }
0xdf: {  	s31 =	simm.s32 $0x1C0;
	v28 =	vld [tilespmem:s23+$0xFFFFFFF0]  }
0xe0: {  	v29 =	vld [tilespmem:s23+$0xFFFFFF10];
	s25 =	sor.u32 $0x60, s31  }
0xe1: {  	v30 =	vld [tilespmem:s25+$0x1C380]  }
0xe2: {  	[tilespmem:v15+s4+$0x0] =	vst.idx.add.f32.msk $0xffff, v18  }
0xe3: {  	[tilespmem:v16+s4+$0x0] =	vst.idx.add.f32.msk $0xffff, v2  }
0xe4: {  	[tilespmem:v17+s4+$0x0] =	vst.idx.add.f32.msk $0xffff, v3  }
0xe5: {  	[tilespmem:v19+s4+$0x0] =	vst.idx.add.f32.msk $0xffff, v4  }
0xe6: {  	[tilespmem:v20+s4+$0x0] =	vst.idx.add.f32.msk $0xffff, v5  }
0xe7: {  	[tilespmem:v21+s4+$0x0] =	vst.idx.add.f32.msk $0xffff, v6  }
0xe8: {  	[tilespmem:v22+s4+$0x0] =	vst.idx.add.f32.msk $0xffff, v7  }
0xe9: {  	[tilespmem:v29+s4+$0x0] =	vst.idx.add.f32.msk $0xffff, v1  }
0xea: {  	[tilespmem:v62+s4+$0x0] =	vst.idx.add.f32.msk $0xffff, v8  }
0xeb: {  	[tilespmem:v63+s4+$0x0] =	vst.idx.add.f32.msk $0xffff, v9  }
0xec: {  	[tilespmem:v23+s4+$0x0] =	vst.idx.add.f32.msk $0xffff, v10  }
0xed: {  	[tilespmem:v24+s4+$0x0] =	vst.idx.add.f32.msk $0xffff, v11  }
0xee: {  	[tilespmem:v25+s4+$0x0] =	vst.idx.add.f32.msk $0xffff, v12  }
0xef: {  	[tilespmem:v26+s4+$0x0] =	vst.idx.add.f32.msk $0xffff, v13  }
0xf0: {  	[tilespmem:v27+s4+$0x0] =	vst.idx.add.f32.msk $0xffff, v14  }
0xf1: {  	s26 =	simm.s32 $0x1C670;
	s28 =	smov.u32 s23;
	s25 =	simm.s32 $0x0;
	[tilespmem:v28+s4+$0x0] =	vst.idx.add.f32.msk $0xffff, v30  }
.LBB2_18:
0xf2: {  	v1 =	vld [tilespmem:s26+$0xFFFFFF90]  }
0xf3: {  	v2 =	vld [tilespmem:s26+$0xFFFFFFA0]  }
0xf4: {  	v3 =	vld [tilespmem:s26+$0xFFFFFFB0]  }
0xf5: {  	v4 =	vld [tilespmem:s26+$0xFFFFFFC0]  }
0xf6: {  	v5 =	vld [tilespmem:s26+$0xFFFFFFD0]  }
0xf7: {  	v6 =	vld [tilespmem:s26+$0xFFFFFFE0]  }
0xf8: {  	v7 =	vld [tilespmem:s26+$0xFFFFFFF0]  }
0xf9: {  	v8 =	vld [tilespmem:s26+$0x0]  }
0xfa: {  	v9 =	vld [tilespmem:s26+$0x90]  }
0xfb: {  	v10 =	vld [tilespmem:s26+$0xA0]  }
0xfc: {  	v11 =	vld [tilespmem:s26+$0xB0]  }
0xfd: {  	v12 =	vld [tilespmem:s26+$0xC0]  }
0xfe: {  	v13 =	vld [tilespmem:s26+$0xD0]  }
0xff: {  	s28 =	sadd.s32 $0x100, s28;
	v14 =	vld [tilespmem:s26+$0xE0]  }
0x100: {  	s25 =	sadd.s32 $0x10, s25;
	v15 =	vld [tilespmem:s28+$0x0]  }
0x101: {  	s24 =	sadd.s32 $0x200, s24;
	p0 =	slt.u32 s25, $0xF0;
	v16 =	vld [tilespmem:s28+$0xFFFFFF20]  }
0x102: {  	s29 =	sadd.s32 $0xFFFFFFE0, s24;
	s30 =	sor.u32 $0x70, s24;
	v17 =	vld [tilespmem:s28+$0xFFFFFF30]  }
0x103: {  	s29 =	sor.u32 $0x60, s29;
	v18 =	vld [tilespmem:s30+$0x1C380]  }
0x104: {  	v19 =	vld [tilespmem:s28+$0xFFFFFF40]  }
0x105: {  	v20 =	vld [tilespmem:s28+$0xFFFFFF50]  }
0x106: {  	v21 =	vld [tilespmem:s28+$0xFFFFFF60]  }
0x107: {  	v22 =	vld [tilespmem:s28+$0xFFFFFF70]  }
0x108: {  	[tilespmem:v15+s4+$0x0] =	vst.idx.add.f32.msk $0xffff, v18  }
0x109: {  	v15 =	vld [tilespmem:s28+$0xFFFFFF80]  }
0x10a: {  	v18 =	vld [tilespmem:s28+$0xFFFFFF90]  }
0x10b: {  	v23 =	vld [tilespmem:s28+$0xFFFFFFA0]  }
0x10c: {  	v24 =	vld [tilespmem:s28+$0xFFFFFFB0]  }
0x10d: {  	v25 =	vld [tilespmem:s28+$0xFFFFFFC0]  }
0x10e: {  	v26 =	vld [tilespmem:s28+$0xFFFFFFD0]  }
0x10f: {  	v27 =	vld [tilespmem:s28+$0xFFFFFFE0]  }
0x110: {  	v28 =	vld [tilespmem:s28+$0xFFFFFFF0]  }
0x111: {  	v29 =	vld [tilespmem:s28+$0xFFFFFF10]  }
0x112: {  	v30 =	vld [tilespmem:s29+$0x1C380]  }
0x113: {  	[tilespmem:v16+s4+$0x0] =	vst.idx.add.f32.msk $0xffff, v2  }
0x114: {  	[tilespmem:v17+s4+$0x0] =	vst.idx.add.f32.msk $0xffff, v3  }
0x115: {  	[tilespmem:v19+s4+$0x0] =	vst.idx.add.f32.msk $0xffff, v4  }
0x116: {  	[tilespmem:v20+s4+$0x0] =	vst.idx.add.f32.msk $0xffff, v5  }
0x117: {  	[tilespmem:v21+s4+$0x0] =	vst.idx.add.f32.msk $0xffff, v6  }
0x118: {  	[tilespmem:v22+s4+$0x0] =	vst.idx.add.f32.msk $0xffff, v7  }
0x119: {  	[tilespmem:v29+s4+$0x0] =	vst.idx.add.f32.msk $0xffff, v1  }
0x11a: {  	[tilespmem:v15+s4+$0x0] =	vst.idx.add.f32.msk $0xffff, v8  }
0x11b: {  	[tilespmem:v18+s4+$0x0] =	vst.idx.add.f32.msk $0xffff, v9  }
0x11c: {  	[tilespmem:v23+s4+$0x0] =	vst.idx.add.f32.msk $0xffff, v10  }
.Ltmp7:
0x11d: {  	[tilespmem:v24+s4+$0x0] =	vst.idx.add.f32.msk $0xffff, v11;
	(pc) =	sbr.rel @p0 .LBB2_18-.Ltmp7, $4  }
0x11e: {  	[tilespmem:v25+s4+$0x0] =	vst.idx.add.f32.msk $0xffff, v12  }
0x11f: {  	[tilespmem:v26+s4+$0x0] =	vst.idx.add.f32.msk $0xffff, v13  }
0x120: {  	[tilespmem:v27+s4+$0x0] =	vst.idx.add.f32.msk $0xffff, v14  }
0x121: {  	s26 =	sadd.s32 $0x200, s26;
	[tilespmem:v28+s4+$0x0] =	vst.idx.add.f32.msk $0xffff, v30  }
0x122: {  	s21 =	sadd.s32 $0x1, s21  }
0x123: {  	p0 =	sne.s32 s21, $0x8  }
.Ltmp8:
0x124: {  	_ = 	snop;
	(pc) =	sbr.rel @p0 .LBB2_9-.Ltmp8, $2  }
0x125: {  	_ =	sdelay $0x2  }
0x126: {  	s22 =	sadd.s32 $0x2000, s22;
	s23 =	sadd.s32 $0x2000, s23  }
0x127: {  	s18 =	sadd.s32 s8, s18;
	s17 =	sadd.s32 $0x1, s17  }
0x128: {  	s18 =	sshrl.u32 s18, $0x3;
	p0 =	sne.s32 s17, $0x8  }
.Ltmp9:
0x129: {  	s18 =	sadd.s32 s6, s18;
	(pc) =	sbr.rel @p0 .LBB2_2-.Ltmp9, $4  }
0x12a: {  	[hbm4b:s18+s14] =	stream.strided.scatter [tilespmem:s4], [sflag:$0x3], $0xC380, s15, s14, $0x38;
	[tilespmem:$0x1E380] =	vst v63  }
0x12b: {  	_ =	swait.ge [sflag:s11], $0xC380  }
0x12c: {  	[sflag:s11] =	ssyncset.done $0x0  }
0x12d: {  	[sflag:s11] =	ssyncadd.s32 $0xFFFF3C80  }
0x12e: {  	s16 =	sadd.s32 $0x1, s16  }
0x12f: {  	p0 =	sne.s32 s16, s9  }
.Ltmp10:
0x130: {  	_ = 	snop;
	(pc) =	sbr.rel @p0 .LBB2_1-.Ltmp10, $1  }
0x131: {  	_ =	sdelay $0x3  }
0x132: {  	_ =	sfence.sel $0x180000  }
0x133: {  	[bflag:$0x0] =	sbarrier.arrive $0xFFFF  }
0x134: {  	p0 =	sne.s32 s2, $0x0;
	_ =	strace $0x90000047  }
0x135: {  	s0 =	sadd.s32 @!p0 $0x100000, s0;
	[bflag:$0x2] =	sbarrier.arrive $0xFFFF  }
0x136: {  	[sflag:s0] =	ssyncadd.tile.s32 @!p0 $0x1;
	_ =	shalt  }
.Lfunc_end2:
_tile_overlayer_lowered:
.L_overlay_start_2:
0x137: {  	(tag) =	ssettag $0x2  }
0x138: {  	s0 =	rddreg [dreg:$0x0];
	s2 =	stileid.u32  }
0x139: {  	s1 =	rddreg [dreg:$0x1];
	p0 =	sne.s32 s2, $0x0  }
0x13a: {  	s3 =	rddreg [dreg:$0x2];
	[bflag:$0x3] =	sbarrier.arrive $0xFFFF;
	s2 =	simm.s32 @!p0 $0x1C03  }
0x13b: {  	[timem:s3], [sflag:s2] =	dma.local @!p0 [hbm:s0], s1  }
0x13c: {  	s0 =	simm.s32 @!p0 $0x3  }
0x13d: {  	_ =	swait.ge @!p0 [sflag:s0], s1  }
0x13e: {  	s1 =	ssub.s32 @!p0 $0x0, s1;
	[sflag:s0] =	ssyncset.done @!p0 $0x0  }
0x13f: {  	[sflag:s0] =	ssyncadd.s32 @!p0 s1  }
0x140: {  	[bflag:$0x3] =	sbarrier.arrive $0xFFFF  }
0x141: {  	_ =	shalt  }

// kernel: kernel.13.cloned.1.call-start
scs
__scs_entry_jumppad:
0x0: {  	(pc) =	sbr.rel $0x88, $3  }
0x1: {  	(tag) =	ssettag $0x0;
	lr =	simm.s32 $0x1  }
0x2: {  	[smem:$0x3F9E] =	sst lr;
	_ =	strace $0xD0000000  }
0x3: {  	_ = 	snop  }
0x4: {  	_ = 	snop  }
0x5: {  	_ = 	snop  }
0x6: {  	_ = 	snop  }
0x7: {  	_ = 	snop  }
__scs_overlays_trampoline_lowered:
0x8: {  	[smem:$0x3FAD] =	sst s0  }
0x9: {  	[smem:$0x3FAE] =	sst s1  }
0xa: {  	[smem:$0x3FAF] =	sst s2  }
0xb: {  	[smem:$0x3FB0] =	sst s3  }
0xc: {  	[smem:$0x3FB1] =	sst s4  }
0xd: {  	[smem:$0x3FB2] =	sst s5  }
0xe: {  	[smem:$0x3FB3] =	sst s6  }
0xf: {  	[smem:$0x3FB4] =	sst s7  }
0x10: {  	[smem:$0x3FB5] =	sst s8  }
0x11: {  	[smem:$0x3FB6] =	sst s9;
	s0 =	simm.s32 @!p0 $0x0  }
0x12: {  	s1 =	sld [smem:$0x3F9C];
	s0 =	simm.s32 @p0 $0x1  }
0x13: {  	[smem:$0x3FB7] =	sst s0;
	s0 =	simm.s32 @!p1 $0x0  }
0x14: {  	s2 =	sld [smem:$0x3F9B];
	s0 =	simm.s32 @p1 $0x1  }
0x15: {  	[smem:$0x3FB8] =	sst s0;
	s0 =	simm.s32 @!p2 $0x0  }
0x16: {  	s3 =	sld [smem:$0x3FDB];
	s0 =	simm.s32 @p2 $0x1  }
0x17: {  	s4 =	simm.s32 $0x1BF5;
	[smem:$0x3FBA] =	sst s0  }
0x18: {  	s0 =	sld [smem:$0x3F9D];
	_ =	swait.ge [sflag:s4], $0x0  }
0x19: {  	s7 =	sld [smem:$0x3F9E]  }
0x1a: {  	s8 =	sadd.s32 $0xFFFFE003, lr  }
0x1b: {  	s9 =	sadd.s32 $0xFFFFFEF7, lr;
	s5 =	simm.s32 $0xFFFFFFFF;
	p2 =	slt.u32 s8, $0xFFFFF086  }
0x1c: {  	p1 =	slt.u32 s9, $0xF7A;
	s5 =	simm.s32 @!p2 $0x0  }
0x1d: {  	s5 =	simm.s32 @p1 $0x1;
	p0 =	seq.s32 s7, s2  }
0x1e: {  	s7 =	smul.u32 @!p0 $0xF7A, s2;
	p2 =	seq.s32 @!p0 s5, $0x0  }
0x1f: {  	s9 =	smul.u32 $0xF7A, s1;
	s8 =	simm.s32 @!p0 $0x1BF5;
	p2 =	por !p2, p0  }
0x20: {  	[sflag:s8] =	ssyncset.s32 @!p0 $0xFFFFF086;
	s6 =	sadd.s32 @!p0 s3, s7;
	s7 =	simm.s32 @!p0 $0x108  }
0x21: {  	s3 =	sadd.s32 s3, s9;
	s6 =	sadd.s32 @!p0 $0x88, s6;
	s7 =	simm.s32 @p2 $0x1082  }
0x22: {  	[simem:s7], [sflag:s8] =	dma.local @!p0 [hbm:s6], $0xF7A  }
0x23: {  	s9 =	sor.u32 $0xD0000000, s2;
	s6 =	simm.s32 $0x108;
	_ =	swait.ge @!p0 [sflag:s8], $0x0  }
0x24: {  	s3 =	sadd.s32 $0x88, s3;
	s6 =	simm.s32 @!p1 $0x1082;
	[sflag:s4] =	ssyncset.s32 $0xFFFFF086  }
0x25: {  	[simem:s6], [sflag:s4] =	dma.local [hbm:s3], $0xF7A  }
0x26: {  	[smem:$0x3F9E] =	sst s1;
	(tag) =	ssettag s2;
	_ =	strace s9  }
0x27: {  	s1 =	sld [smem:$0x3FAE]  }
0x28: {  	s2 =	sld [smem:$0x3FAF]  }
0x29: {  	s4 =	sld [smem:$0x3FB1]  }
0x2a: {  	p0 =	seq.s32 s5, $0x0;
	s5 =	sld [smem:$0x3FB2]  }
0x2b: {  	s6 =	sld [smem:$0x3FB3]  }
0x2c: {  	s7 =	sld [smem:$0x3FB4]  }
0x2d: {  	s3 =	simm.s32 $0x108;
	s8 =	sld [smem:$0x3FB5]  }
0x2e: {  	s3 =	simm.s32 @!p0 $0x1082;
	s9 =	sld [smem:$0x3FB6]  }
0x2f: {  	lr =	sadd.s32 s0, s3;
	s0 =	sld [smem:$0x3FAD]  }
0x30: {  	s3 =	sld [smem:$0x3FB0]  }
0x31: {  	[smem:$0x3FB9] =	sst s10  }
0x32: {  	s10 =	sld [smem:$0x3FB7];
	_ =	sdelay $0x3  }
0x33: {  	p0 =	seq.s32 s10, $0x1;
	s10 =	sld [smem:$0x3FB9];
	_ =	sdelay $0x3  }
0x34: {  	[smem:$0x3FB9] =	sst s10  }
0x35: {  	s10 =	sld [smem:$0x3FB8];
	_ =	sdelay $0x3  }
0x36: {  	p1 =	seq.s32 s10, $0x1;
	s10 =	sld [smem:$0x3FB9];
	_ =	sdelay $0x3  }
0x37: {  	[smem:$0x3FB9] =	sst s10  }
0x38: {  	s10 =	sld [smem:$0x3FBA]  }
0x39: {  	_ = 	snop;
	(pc) =	sbr.ind lr, $3  }
0x3a: {  	_ = 	snop  }
0x3b: {  	_ = 	snop  }
0x3c: {  	p2 =	seq.s32 s10, $0x1;
	s10 =	sld [smem:$0x3FB9]  }
0x3d: {  	_ =	shalt  }
0x3e: {  	_ =	shalt  }
0x3f: {  	_ =	shalt  }
0x40: {  	_ =	shalt  }
0x41: {  	_ =	shalt  }
0x42: {  	_ =	shalt  }
0x43: {  	_ =	shalt  }
0x44: {  	_ =	shalt  }
0x45: {  	_ =	shalt  }
0x46: {  	_ =	shalt  }
0x47: {  	_ =	shalt  }
0x48: {  	_ =	shalt  }
0x49: {  	_ =	shalt  }
0x4a: {  	_ =	shalt  }
0x4b: {  	_ =	shalt  }
0x4c: {  	_ =	shalt  }
0x4d: {  	_ =	shalt  }
0x4e: {  	_ =	shalt  }
0x4f: {  	_ =	shalt  }
0x50: {  	_ =	shalt  }
0x51: {  	_ =	shalt  }
0x52: {  	_ =	shalt  }
0x53: {  	_ =	shalt  }
0x54: {  	_ =	shalt  }
0x55: {  	_ =	shalt  }
0x56: {  	_ =	shalt  }
0x57: {  	_ =	shalt  }
0x58: {  	_ =	shalt  }
0x59: {  	_ =	shalt  }
0x5a: {  	_ =	shalt  }
0x5b: {  	_ =	shalt  }
0x5c: {  	_ =	shalt  }
0x5d: {  	_ =	shalt  }
0x5e: {  	_ =	shalt  }
0x5f: {  	_ =	shalt  }
0x60: {  	_ =	shalt  }
0x61: {  	_ =	shalt  }
0x62: {  	_ =	shalt  }
0x63: {  	_ =	shalt  }
0x64: {  	_ =	shalt  }
0x65: {  	_ =	shalt  }
0x66: {  	_ =	shalt  }
0x67: {  	_ =	shalt  }
0x68: {  	_ =	shalt  }
0x69: {  	_ =	shalt  }
0x6a: {  	_ =	shalt  }
0x6b: {  	_ =	shalt  }
0x6c: {  	_ =	shalt  }
0x6d: {  	_ =	shalt  }
0x6e: {  	_ =	shalt  }
0x6f: {  	_ =	shalt  }
0x70: {  	_ =	shalt  }
0x71: {  	_ =	shalt  }
0x72: {  	_ =	shalt  }
0x73: {  	_ =	shalt  }
0x74: {  	_ =	shalt  }
0x75: {  	_ =	shalt  }
0x76: {  	_ =	shalt  }
0x77: {  	_ =	shalt  }
0x78: {  	_ =	shalt  }
0x79: {  	_ =	shalt  }
0x7a: {  	_ =	shalt  }
0x7b: {  	_ =	shalt  }
0x7c: {  	_ =	shalt  }
0x7d: {  	_ =	shalt  }
0x7e: {  	_ =	shalt  }
0x7f: {  	_ =	shalt  }
0x80: {  	_ =	shalt  }
0x81: {  	_ =	shalt  }
0x82: {  	_ =	shalt  }
0x83: {  	_ =	shalt  }
0x84: {  	_ =	shalt  }
0x85: {  	_ =	shalt  }
0x86: {  	_ =	shalt  }
0x87: {  	_ =	shalt  }
.Lfunc_end0:
.L_simem_size_0:
called_computation.1_lowered:
.L_overlay_start_0:
0x88: {  	s2 =	sld [smem:$0x3FD9]  }
0x89: {  	s3 =	sld [smem:$0x3FFE];
	_ =	sdelay $0x1  }
0x8a: {  	s1 =	srdreg.scid  }
0x8b: {  	s0 =	sand.u32 $0x1, s1  }
0x8c: {  	s17 =	sshll.u32 s0, $0xA;
	s2 =	sadd.s32 s3, s2  }
0x8d: {  	s2 =	sadd.s32 s2, s17  }
0x8e: {  	[smem:$0x3FC5] =	sst s2  }
0x8f: {  	_ = 	snop  }
0x90: {  	s18 =	sld [smem:$0x3FC7];
	(tm) =	ssettm $0x1  }
0x91: {  	s19 =	sld [smem:$0x3FFB];
	_ =	sdelay $0x3  }
0x92: {  	_ =	strace s19  }
0x93: {  	s2 =	sld [smem:$0x3FFC];
	_ =	sdelay $0x3  }
0x94: {  	_ =	strace s2  }
0x95: {  	s2 =	sld [smem:$0x3FFD];
	_ =	sdelay $0x3  }
0x96: {  	_ =	strace s2  }
0x97: {  	_ =	strace $0x8FFFFFFF  }
0x98: {  	s20 =	sld [smem:$0x3FDB];
	_ =	sdelay $0x1  }
0x99: {  	s4 =	simm.s32 $_scs_section_size  }
0x9a: {  	s5 =	simm.s32 $_size__tile_overlayer_lowered;
	s6 =	simm.s32 $_tile_overlayer_lowered  }
0x9b: {  	s7 =	simm.s32 $0x1BFF;
	s21 =	sshll.u32 s6, $0x1;
	s4 =	sadd.s32 s4, s20  }
0x9c: {  	s22 =	simm.s32 $0x0;
	s5 =	sshll.u32 s5, $0x1;
	s6 =	sadd.s32 s21, s4  }
0x9d: {  	[timem:s22], [sflag:s7] =	dma.local [hbm:s6], s5  }
0x9e: {  	_ =	swait.ge [sflag:s7], s5  }
0x9f: {  	s5 =	ssub.s32 $0x0, s5;
	[sflag:s7] =	ssyncset.done $0x0  }
0xa0: {  	[sflag:s7] =	ssyncadd.s32 s5;
	_ =	sdelay $0x1  }
0xa1: {  	s23 =	simm.s32 $0x1B8B  }
0xa2: {  	_ =	swait.ge [sflag:s23], $0x1  }
0xa3: {  	[sflag:s23] =	ssyncset.done $0x0  }
0xa4: {  	[sflag:s23] =	ssyncadd.s32 $0xFFFFFFFF  }
0xa5: {  	s5 =	sld [smem:$0x0]  }
0xa6: {  	s6 =	sand.u32 $0xFFFFFFFE, s1  }
0xa7: {  	p0 =	sne.s32 s1, s6  }
0xa8: {  	s6 =	sshll.u32 @p0 s6, $0xE  }
0xa9: {  	s6 =	sadd.s32 @p0 $0x11B8D, s6;
	s7 =	sshll.u32 @p0 s5, $0x11  }
0xaa: {  	s6 =	sor.u32 @p0 s7, s6  }
0xab: {  	[sflag:s6] =	ssyncadd.remote.s32 @p0 $0x1;
	_ =	sdelay $0x1  }
0xac: {  	s6 =	simm.s32 @p0 $0x1B8D  }
0xad: {  	_ =	swait.eq @p0 [sflag:s6], $0x1  }
0xae: {  	[sflag:s6] =	ssyncadd.s32 @p0 $0xFFFFFFFF  }
0xaf: {  	s7 =	sshll.u32 @!p0 s1, $0xE  }
0xb0: {  	s7 =	sor.u32 @!p0 $0x4000, s7;
	s6 =	simm.s32 @!p0 $0x1B8D  }
0xb1: {  	s5 =	sshll.u32 @!p0 s5, $0x11;
	s7 =	sadd.s32 @!p0 $0x11B8D, s7;
	_ =	swait.eq @!p0 [sflag:s6], $0x1  }
0xb2: {  	s5 =	sor.u32 @!p0 s5, s7;
	[sflag:s6] =	ssyncadd.s32 @!p0 $0xFFFFFFFF  }
0xb3: {  	s25 =	simm.s32 $0x1B8E;
	s24 =	sld [smem:$0x3FFE];
	[sflag:s5] =	ssyncadd.remote.s32 @!p0 $0x1  }
0xb4: {  	s26 =	simm.s32 $execute0_lowered;
	[smem:$0x3FD2] =	sst s25  }
0xb5: {  	s6 =	sshll.u32 s26, $0x1;
	_ =	strace $0x80000049;
	[dreg:$0x1] =	wrdreg $0xFFFFFFFF  }
0xb6: {  	s28 =	simm.s32 $_size_execute0_lowered;
	s4 =	sadd.s32 s4, s6;
	[dreg:$0x0] =	wrdreg $0x0  }
0xb7: {  	s6 =	sshll.u32 s28, $0x1;
	[dreg:$0x2] =	wrdreg s4  }
0xb8: {  	[dreg:$0x3] =	wrdreg s6  }
0xb9: {  	[dreg:$0x4] =	wrdreg $0xC0  }
0xba: {  	_ =	task [dreg:s22], $0x5FFFF  }
0xbb: {  	[dreg:$0x1] =	wrdreg $0xFFFFFFFF  }
0xbc: {  	[dreg:$0x0] =	wrdreg $0x60  }
0xbd: {  	[dreg:$0x2] =	wrdreg s24  }
0xbe: {  	[dreg:$0x3] =	wrdreg s18  }
0xbf: {  	[dreg:$0x4] =	wrdreg $0xA  }
0xc0: {  	_ =	task.clear_ibuf [dreg:s22], $0x5FFFF;
	_ =	strace $0x90000049  }
0xc1: {  	s29 =	simm.s32 $0xA;
	_ =	strace $0x8000004B  }
0xc2: {  	_ =	swait.ge [sflag:s29], $0x1  }
0xc3: {  	[sflag:s29] =	ssyncadd.s32 $0xFFFFFFFF  }
0xc4: {  	_ =	strace $0x9000004B  }
0xc5: {  	_ =	sfence  }
0xc6: {  	s30 =	sld [smem:$0x0];
	_ =	sdelay $0x2  }
0xc7: {  	s31 =	sshll.u32 s1, $0xD;
	s1 =	sshrl.u32 s1, $0x2  }
0xc8: {  	s4 =	sand.u32 $0x4000, s31;
	s1 =	sadd.s32 s1, s30  }
0xc9: {  	s0 =	sor.u32 s4, s0;
	s1 =	sshll.u32 s1, $0x11  }
0xca: {  	s0 =	sor.u32 s1, s0  }
0xcb: {  	s0 =	sadd.s32 $0x8F2B, s0  }
0xcc: {  	[sflag:s0] =	ssyncadd.remote.s32 $0x1  }
0xcd: {  	_ =	sfence.sel $0xFFFF  }
0xce: {  	[dreg:$0x0] =	wrdreg $0xFFFFFFFF;
	(pc) =	sbr.abs _section_cstart, $3  }
0xcf: {  	[dreg:$0x1] =	wrdreg $0xFFFFFFFF  }
0xd0: {  	_ =	task.clear_ibuf [dreg:s22], $0x2FFFF;
	_ =	strace $0x9FFFFFFF  }
0xd1: {  	(tm) =	ssettm $0x7FFFFFFF  }
tec
execute0_lowered:
.L_overlay_start_1:
0x0: {  	(tag) =	ssettag $0x1  }
0x1: {  	s6 =	rddreg [dreg:$0x0]  }
0x2: {  	s2 =	rddreg [dreg:$0x1]  }
0x3: {  	s0 =	rddreg [dreg:$0x2]  }
0x4: {  	s3 =	simm.s32 $0x0;
	s4 =	srdreg.scid;
	s1 =	stileid.u32  }
0x5: {  	s10 =	simm.s32 $0xC380;
	s11 =	simm.s32 $0x3;
	s12 =	simm.s32 $0x1  }
0x6: {  	s13 =	simm.s32 $0x2;
	s14 =	simm.s32 $0x80;
	s15 =	simm.s32 $0x400  }
0x7: {  	s16 =	simm.s32 $0x0;
	[smem:$0x7FF] =	sst s3;
	s4 =	sand.u32 $0x1, s4  }
0x8: {  	s5 =	sshll.u32 s1, $0x1;
	_ =	strace $0x8000004A;
	s7 =	ssub.s32 $0x2, s4  }
0x9: {  	s8 =	sor.u32 s4, s5;
	s4 =	sadd.s32 $0x18C000, s6;
	s9 =	sshrl.u32 s7, $0x1  }
0xa: {  	s6 =	sadd.s32 $0x38C000, s6;
	s5 =	sshll.u32 s8, $0x13;
	s9 =	ssub.s32 s7, s9  }
0xb: {  	v0 =	vimm.f32 $0.0e+00;
	s8 =	smul.u32 $0x61C00, s8;
	s7 =	sor.u32 $0x10000, s5;
	s9 =	smax.u32 s9, $0x1  }
.LBB2_1:
0xc: {  	[tilespmem:s10], [sflag:$0x3] =	stream.linear.gather [hbm4b:s2+s3], $0x10000, $0x38;
	[tilespmem:$0x1E380] =	vst v63  }
0xd: {  	_ =	swait.ge [sflag:s11], $0x10000  }
0xe: {  	[sflag:s11] =	ssyncset.done $0x0  }
0xf: {  	s17 =	simm.s32 $0x0;
	[sflag:s11] =	ssyncadd.s32 $0xFFFF0000  }
.LBB2_2:
0x10: {  	s18 =	sshll.u32 s17, $0x7  }
0x11: {  	s19 =	sor.u32 s5, s18  }
0x12: {  	s19 =	sshrl.u32 s19, $0x3  }
0x13: {  	s20 =	simm.s32 $0x0;
	s21 =	simm.s32 $0x1C380;
	s19 =	sadd.s32 s4, s19  }
.LBB2_3:
0x14: {  	p0 =	sne.s32 s20, $0xF80  }
.Ltmp0:
0x15: {  	_ = 	snop;
	(pc) =	sbr.rel @p0 .LBB2_3-.Ltmp0, $4  }
0x16: {  	_ = 	snop  }
0x17: {  	s22 =	sadd.s32 s20, s19  }
0x18: {  	[tilespmem:s21], [sflag:$0x1] =	stream.linear.gather [hbm4b:s22+s3], $0x80, $0x38;
	[tilespmem:$0x1E380] =	vst v63  }
0x19: {  	s20 =	sadd.s32 $0x80, s20;
	s21 =	sadd.s32 $0x100, s21  }
0x1a: {  	s19 =	simm.s32 $0x80  }
0x1b: {  	[tilespmem:s19+$0xFFFFFF80] =	vst v0  }
0x1c: {  	[tilespmem:s19+$0x70] =	vst v0  }
0x1d: {  	[tilespmem:s19+$0x60] =	vst v0  }
0x1e: {  	[tilespmem:s19+$0x50] =	vst v0  }
0x1f: {  	[tilespmem:s19+$0x40] =	vst v0  }
0x20: {  	[tilespmem:s19+$0x30] =	vst v0  }
0x21: {  	[tilespmem:s19+$0x20] =	vst v0  }
0x22: {  	[tilespmem:s19+$0x10] =	vst v0  }
0x23: {  	[tilespmem:s19+$0x0] =	vst v0  }
0x24: {  	[tilespmem:s19+$0xFFFFFFF0] =	vst v0  }
0x25: {  	[tilespmem:s19+$0xFFFFFFE0] =	vst v0  }
0x26: {  	[tilespmem:s19+$0xFFFFFFD0] =	vst v0  }
0x27: {  	[tilespmem:s19+$0xFFFFFFC0] =	vst v0  }
0x28: {  	[tilespmem:s19+$0xFFFFFFB0] =	vst v0  }
0x29: {  	s20 =	simm.s32 $0x0;
	[tilespmem:s19+$0xFFFFFFA0] =	vst v0  }
.LBB2_5:
0x2a: {  	s20 =	sadd.s32 $0x10, s20;
	[tilespmem:s19+$0xFFFFFF90] =	vst v0;
	s19 =	sadd.s32 $0x100, s19  }
0x2b: {  	[tilespmem:s19+$0xFFFFFF80] =	vst v0;
	p0 =	slt.u32 s20, $0xC20  }
0x2c: {  	[tilespmem:s19+$0x70] =	vst v0  }
0x2d: {  	[tilespmem:s19+$0x60] =	vst v0  }
0x2e: {  	[tilespmem:s19+$0x50] =	vst v0  }
0x2f: {  	[tilespmem:s19+$0x40] =	vst v0  }
0x30: {  	[tilespmem:s19+$0x30] =	vst v0  }
0x31: {  	[tilespmem:s19+$0x20] =	vst v0  }
0x32: {  	[tilespmem:s19+$0x10] =	vst v0  }
0x33: {  	[tilespmem:s19+$0x0] =	vst v0  }
0x34: {  	[tilespmem:s19+$0xFFFFFFF0] =	vst v0  }
.Ltmp1:
0x35: {  	[tilespmem:s19+$0xFFFFFFE0] =	vst v0;
	(pc) =	sbr.rel @p0 .LBB2_5-.Ltmp1, $4  }
0x36: {  	[tilespmem:s19+$0xFFFFFFD0] =	vst v0  }
0x37: {  	[tilespmem:s19+$0xFFFFFFC0] =	vst v0  }
0x38: {  	[tilespmem:s19+$0xFFFFFFB0] =	vst v0  }
0x39: {  	[tilespmem:s19+$0xFFFFFFA0] =	vst v0  }
0x3a: {  	[tilespmem:s19+$0xFFFFFF90] =	vst v0;
	s19 =	simm.s32 $0x0  }
.LBB2_7:
0x3b: {  	p0 =	seq.s32 s19, $0x100  }
.Ltmp2:
0x3c: {  	_ = 	snop;
	(pc) =	sbr.rel @!p0 .LBB2_7-.Ltmp2, $3  }
0x3d: {  	_ =	sdelay $0x1  }
0x3e: {  	s20 =	sshra.s32 s19, $0x2  }
0x3f: {  	s19 =	sadd.s32 $0x40, s19;
	[tilespmem:s20+$0xC300] =	vst v0  }
0x40: {  	s19 =	sadd.s32 s18, s5  }
0x41: {  	s21 =	simm.s32 $0x0;
	s22 =	simm.s32 $0xC400;
	s20 =	sshrl.u32 s19, $0x3  }
0x42: {  	s23 =	simm.s32 $0xD470;
	s19 =	sadd.s32 s18, s7;
	s20 =	sadd.s32 s4, s20  }
.LBB2_9:
0x43: {  	s24 =	sshll.u32 s21, $0xD  }
0x44: {  	s24 =	sadd.s32 s24, s20  }
0x45: {  	s25 =	simm.s32 $0x1C400;
	s24 =	sadd.s32 $0x1000, s24  }
0x46: {  	s26 =	simm.s32 $0x80;
	s28 =	simm.s32 $0x1C500;
	s29 =	sadd.s32 $0x0, s24  }
.LBB2_10:
0x47: {  	[tilespmem:s25], [sflag:$0x2] =	stream.linear.gather [hbm4b:s29+s3], $0x80, $0x38;
	[tilespmem:$0x1E380] =	vst v63  }
0x48: {  	s29 =	smov.u32 s26;
	s25 =	smov.u32 s28;
	p0 =	sne.s32 s26, $0xF80  }
.Ltmp3:
0x49: {  	s26 =	sadd.s32 $0x80, s26;
	(pc) =	sbr.rel @p0 .LBB2_10-.Ltmp3, $2  }
0x4a: {  	_ =	sdelay $0x2  }
0x4b: {  	s28 =	sadd.s32 $0x100, s28;
	s29 =	sadd.s32 s29, s24  }
0x4c: {  	[tilespmem:s25], [sflag:$0x2] =	stream.linear.gather [hbm4b:s29+s3], $0x80, $0x38;
	[tilespmem:$0x1E380] =	vst v63  }
0x4d: {  	_ =	swait.ge [sflag:s12], $0x1000  }
0x4e: {  	[sflag:s12] =	ssyncset.done $0x0  }
0x4f: {  	[sflag:s12] =	ssyncadd.s32 $0xFFFFF000  }
0x50: {  	v1 =	vld [tilespmem:s22+$0x70]  }
0x51: {  	v2 =	vld [tilespmem:s22+$0xFFFFFF90]  }
0x52: {  	s24 =	simm.s32 $0x1C480;
	v3 =	vld [tilespmem:s22+$0xFFFFFFA0]  }
0x53: {  	v4 =	vld [tilespmem:s24+$0x70]  }
0x54: {  	v5 =	vld [tilespmem:s22+$0xFFFFFFB0]  }
0x55: {  	v6 =	vld [tilespmem:s22+$0xFFFFFFC0]  }
0x56: {  	v7 =	vld [tilespmem:s22+$0xFFFFFFD0]  }
0x57: {  	v8 =	vld [tilespmem:s22+$0xFFFFFFE0]  }
0x58: {  	v63 =	vld [tilespmem:s22+$0x0]  }
0x59: {  	v9 =	vld [tilespmem:s22+$0x10]  }
0x5a: {  	v10 =	vld [tilespmem:s22+$0x20]  }
0x5b: {  	v11 =	vld [tilespmem:s22+$0x30]  }
0x5c: {  	v12 =	vld [tilespmem:s22+$0x40]  }
0x5d: {  	v13 =	vld [tilespmem:s22+$0x50]  }
0x5e: {  	v14 =	vld [tilespmem:s22+$0x60]  }
0x5f: {  	v15 =	vld [tilespmem:s22+$0xFFFFFF80]  }
0x60: {  	v16 =	vld [tilespmem:s24+$0xFFFFFF00]  }
0x61: {  	v17 =	vld [tilespmem:s24+$0xFFFFFF10]  }
0x62: {  	v18 =	vld [tilespmem:s24+$0xFFFFFF20]  }
0x63: {  	v19 =	vld [tilespmem:s24+$0xFFFFFF30]  }
0x64: {  	v20 =	vld [tilespmem:s24+$0xFFFFFF40]  }
0x65: {  	v21 =	vld [tilespmem:s24+$0xFFFFFF50]  }
0x66: {  	v22 =	vld [tilespmem:s24+$0xFFFFFF60]  }
0x67: {  	v23 =	vld [tilespmem:s24+$0xFFFFFF70]  }
0x68: {  	v24 =	vld [tilespmem:s24+$0x0]  }
0x69: {  	v25 =	vld [tilespmem:s24+$0x10]  }
0x6a: {  	v26 =	vld [tilespmem:s24+$0x20]  }
0x6b: {  	v27 =	vld [tilespmem:s24+$0x30]  }
0x6c: {  	v28 =	vld [tilespmem:s24+$0x40]  }
0x6d: {  	v29 =	vld [tilespmem:s24+$0x50]  }
0x6e: {  	v30 =	vld [tilespmem:s24+$0x60]  }
0x6f: {  	[tilespmem:v1+s3+$0x0] =	vst.idx.add.f32.msk $0xffff, v4  }
0x70: {  	v1 =	vld [tilespmem:s22+$0xFFFFFFF0]  }
0x71: {  	[tilespmem:v15+s3+$0x0] =	vst.idx.add.f32.msk $0xffff, v16  }
0x72: {  	[tilespmem:v2+s3+$0x0] =	vst.idx.add.f32.msk $0xffff, v17  }
0x73: {  	[tilespmem:v3+s3+$0x0] =	vst.idx.add.f32.msk $0xffff, v18  }
0x74: {  	[tilespmem:v5+s3+$0x0] =	vst.idx.add.f32.msk $0xffff, v19  }
0x75: {  	[tilespmem:v6+s3+$0x0] =	vst.idx.add.f32.msk $0xffff, v20  }
0x76: {  	[tilespmem:v7+s3+$0x0] =	vst.idx.add.f32.msk $0xffff, v21  }
0x77: {  	[tilespmem:v8+s3+$0x0] =	vst.idx.add.f32.msk $0xffff, v22  }
0x78: {  	[tilespmem:v63+s3+$0x0] =	vst.idx.add.f32.msk $0xffff, v24  }
0x79: {  	[tilespmem:v9+s3+$0x0] =	vst.idx.add.f32.msk $0xffff, v25  }
0x7a: {  	[tilespmem:v10+s3+$0x0] =	vst.idx.add.f32.msk $0xffff, v26  }
0x7b: {  	[tilespmem:v11+s3+$0x0] =	vst.idx.add.f32.msk $0xffff, v27  }
0x7c: {  	[tilespmem:v12+s3+$0x0] =	vst.idx.add.f32.msk $0xffff, v28  }
0x7d: {  	[tilespmem:v13+s3+$0x0] =	vst.idx.add.f32.msk $0xffff, v29  }
0x7e: {  	[tilespmem:v14+s3+$0x0] =	vst.idx.add.f32.msk $0xffff, v30  }
0x7f: {  	s25 =	simm.s32 $0x0;
	s26 =	sadd.s32 $0x100, s22;
	[tilespmem:v1+s3+$0x0] =	vst.idx.add.f32.msk $0xffff, v23  }
.LBB2_12:
0x80: {  	v1 =	vld [tilespmem:s26+$0x70];
	s25 =	sadd.s32 $0x10, s25  }
0x81: {  	v2 =	vld [tilespmem:s26+$0xFFFFFF90];
	p0 =	slt.u32 s25, $0xF0  }
0x82: {  	s24 =	sadd.s32 $0x200, s24;
	v3 =	vld [tilespmem:s26+$0xFFFFFFA0]  }
0x83: {  	v4 =	vld [tilespmem:s24+$0x70]  }
0x84: {  	v5 =	vld [tilespmem:s26+$0xFFFFFFB0]  }
0x85: {  	v6 =	vld [tilespmem:s26+$0xFFFFFFC0]  }
0x86: {  	v7 =	vld [tilespmem:s26+$0xFFFFFFD0]  }
0x87: {  	v8 =	vld [tilespmem:s26+$0xFFFFFFE0]  }
0x88: {  	[tilespmem:v1+s3+$0x0] =	vst.idx.add.f32.msk $0xffff, v4  }
0x89: {  	v1 =	vld [tilespmem:s26+$0xFFFFFFF0]  }
0x8a: {  	v4 =	vld [tilespmem:s26+$0x0]  }
0x8b: {  	v9 =	vld [tilespmem:s26+$0x10]  }
0x8c: {  	v10 =	vld [tilespmem:s26+$0x20]  }
0x8d: {  	v11 =	vld [tilespmem:s26+$0x30]  }
0x8e: {  	v12 =	vld [tilespmem:s26+$0x40]  }
0x8f: {  	v13 =	vld [tilespmem:s26+$0x50]  }
0x90: {  	v14 =	vld [tilespmem:s26+$0x60]  }
0x91: {  	v15 =	vld [tilespmem:s26+$0xFFFFFF80]  }
0x92: {  	v16 =	vld [tilespmem:s24+$0xFFFFFF00]  }
0x93: {  	v17 =	vld [tilespmem:s24+$0xFFFFFF10]  }
0x94: {  	v18 =	vld [tilespmem:s24+$0xFFFFFF20]  }
0x95: {  	v19 =	vld [tilespmem:s24+$0xFFFFFF30]  }
0x96: {  	v20 =	vld [tilespmem:s24+$0xFFFFFF40]  }
0x97: {  	v21 =	vld [tilespmem:s24+$0xFFFFFF50]  }
0x98: {  	v22 =	vld [tilespmem:s24+$0xFFFFFF60]  }
0x99: {  	v23 =	vld [tilespmem:s24+$0xFFFFFF70]  }
0x9a: {  	v24 =	vld [tilespmem:s24+$0x0]  }
0x9b: {  	v25 =	vld [tilespmem:s24+$0x10]  }
0x9c: {  	v26 =	vld [tilespmem:s24+$0x20]  }
0x9d: {  	v27 =	vld [tilespmem:s24+$0x30]  }
0x9e: {  	v28 =	vld [tilespmem:s24+$0x40]  }
0x9f: {  	v29 =	vld [tilespmem:s24+$0x50]  }
0xa0: {  	v30 =	vld [tilespmem:s24+$0x60]  }
0xa1: {  	[tilespmem:v15+s3+$0x0] =	vst.idx.add.f32.msk $0xffff, v16  }
0xa2: {  	[tilespmem:v2+s3+$0x0] =	vst.idx.add.f32.msk $0xffff, v17  }
0xa3: {  	[tilespmem:v3+s3+$0x0] =	vst.idx.add.f32.msk $0xffff, v18  }
0xa4: {  	[tilespmem:v5+s3+$0x0] =	vst.idx.add.f32.msk $0xffff, v19  }
0xa5: {  	[tilespmem:v6+s3+$0x0] =	vst.idx.add.f32.msk $0xffff, v20  }
0xa6: {  	[tilespmem:v7+s3+$0x0] =	vst.idx.add.f32.msk $0xffff, v21  }
0xa7: {  	[tilespmem:v8+s3+$0x0] =	vst.idx.add.f32.msk $0xffff, v22  }
0xa8: {  	[tilespmem:v1+s3+$0x0] =	vst.idx.add.f32.msk $0xffff, v23  }
0xa9: {  	[tilespmem:v4+s3+$0x0] =	vst.idx.add.f32.msk $0xffff, v24  }
0xaa: {  	[tilespmem:v9+s3+$0x0] =	vst.idx.add.f32.msk $0xffff, v25  }
.Ltmp4:
0xab: {  	[tilespmem:v10+s3+$0x0] =	vst.idx.add.f32.msk $0xffff, v26;
	(pc) =	sbr.rel @p0 .LBB2_12-.Ltmp4, $4  }
0xac: {  	[tilespmem:v11+s3+$0x0] =	vst.idx.add.f32.msk $0xffff, v27  }
0xad: {  	[tilespmem:v12+s3+$0x0] =	vst.idx.add.f32.msk $0xffff, v28  }
0xae: {  	[tilespmem:v13+s3+$0x0] =	vst.idx.add.f32.msk $0xffff, v29  }
0xaf: {  	s26 =	sadd.s32 $0x100, s26;
	[tilespmem:v14+s3+$0x0] =	vst.idx.add.f32.msk $0xffff, v30  }
0xb0: {  	p0 =	seq.s32 s21, $0x7  }
.Ltmp5:
0xb1: {  	_ = 	snop;
	(pc) =	sbr.rel @p0 .LBB2_17-.Ltmp5, $1  }
0xb2: {  	_ =	sdelay $0x3  }
0xb3: {  	s24 =	sshll.u32 s21, $0x10  }
0xb4: {  	s24 =	sadd.s32 s24, s19  }
0xb5: {  	s24 =	sshrl.u32 s24, $0x3  }
0xb6: {  	s25 =	simm.s32 $0x1C380;
	s24 =	sadd.s32 s4, s24  }
0xb7: {  	s26 =	simm.s32 $0x80;
	s28 =	simm.s32 $0x1C480;
	s29 =	sadd.s32 $0x0, s24  }
.LBB2_15:
0xb8: {  	[tilespmem:s25], [sflag:$0x1] =	stream.linear.gather [hbm4b:s29+s3], $0x80, $0x38;
	[tilespmem:$0x1E380] =	vst v63  }
0xb9: {  	s29 =	smov.u32 s26;
	s25 =	smov.u32 s28;
	p0 =	sne.s32 s26, $0xF80  }
.Ltmp6:
0xba: {  	s26 =	sadd.s32 $0x80, s26;
	(pc) =	sbr.rel @p0 .LBB2_15-.Ltmp6, $2  }
0xbb: {  	_ =	sdelay $0x2  }
0xbc: {  	s28 =	sadd.s32 $0x100, s28;
	s29 =	sadd.s32 s29, s24  }
0xbd: {  	[tilespmem:s25], [sflag:$0x1] =	stream.linear.gather [hbm4b:s29+s3], $0x80, $0x38;
	[tilespmem:$0x1E380] =	vst v63  }
.LBB2_17:
0xbe: {  	_ =	swait.ge [sflag:s13], $0x1000  }
0xbf: {  	[sflag:s13] =	ssyncset.done $0x0  }
0xc0: {  	s24 =	simm.s32 $0x1C470;
	[sflag:s13] =	ssyncadd.s32 $0xFFFFF000  }
0xc1: {  	v1 =	vld [tilespmem:s24+$0xFFFFFF90]  }
0xc2: {  	v2 =	vld [tilespmem:s24+$0xFFFFFFA0]  }
0xc3: {  	v3 =	vld [tilespmem:s24+$0xFFFFFFB0]  }
0xc4: {  	v4 =	vld [tilespmem:s24+$0xFFFFFFC0]  }
0xc5: {  	v5 =	vld [tilespmem:s24+$0xFFFFFFD0]  }
0xc6: {  	v6 =	vld [tilespmem:s24+$0xFFFFFFE0]  }
0xc7: {  	v7 =	vld [tilespmem:s24+$0xFFFFFFF0]  }
0xc8: {  	v8 =	vld [tilespmem:s24+$0x0]  }
0xc9: {  	v9 =	vld [tilespmem:s24+$0x90]  }
0xca: {  	v10 =	vld [tilespmem:s24+$0xA0]  }
0xcb: {  	v11 =	vld [tilespmem:s24+$0xB0]  }
0xcc: {  	v12 =	vld [tilespmem:s24+$0xC0]  }
0xcd: {  	v13 =	vld [tilespmem:s24+$0xD0]  }
0xce: {  	v14 =	vld [tilespmem:s24+$0xE0]  }
0xcf: {  	v15 =	vld [tilespmem:s23+$0x0]  }
0xd0: {  	v16 =	vld [tilespmem:s23+$0xFFFFFF20]  }
0xd1: {  	v17 =	vld [tilespmem:s23+$0xFFFFFF30]  }
0xd2: {  	v19 =	vld [tilespmem:s23+$0xFFFFFF40]  }
0xd3: {  	v20 =	vld [tilespmem:s23+$0xFFFFFF50]  }
0xd4: {  	v21 =	vld [tilespmem:s23+$0xFFFFFF60]  }
0xd5: {  	v22 =	vld [tilespmem:s23+$0xFFFFFF70]  }
0xd6: {  	v62 =	vld [tilespmem:s23+$0xFFFFFF80]  }
0xd7: {  	v63 =	vld [tilespmem:s23+$0xFFFFFF90]  }
0xd8: {  	v23 =	vld [tilespmem:s23+$0xFFFFFFA0]  }
0xd9: {  	v24 =	vld [tilespmem:s23+$0xFFFFFFB0]  }
0xda: {  	s24 =	simm.s32 $0x1E0;
	v25 =	vld [tilespmem:s23+$0xFFFFFFC0]  }
0xdb: {  	v26 =	vld [tilespmem:s23+$0xFFFFFFD0];
	s25 =	sor.u32 $0x70, s24  }
0xdc: {  	v18 =	vld [tilespmem:s25+$0x1C380]  }
0xdd: {  	v27 =	vld [tilespmem:s23+$0xFFFFFFE0]  }
0xde: {  	s31 =	simm.s32 $0x1C0;
	v28 =	vld [tilespmem:s23+$0xFFFFFFF0]  }
0xdf: {  	v29 =	vld [tilespmem:s23+$0xFFFFFF10];
	s25 =	sor.u32 $0x60, s31  }
0xe0: {  	v30 =	vld [tilespmem:s25+$0x1C380]  }
0xe1: {  	[tilespmem:v15+s3+$0x0] =	vst.idx.add.f32.msk $0xffff, v18  }
0xe2: {  	[tilespmem:v16+s3+$0x0] =	vst.idx.add.f32.msk $0xffff, v2  }
0xe3: {  	[tilespmem:v17+s3+$0x0] =	vst.idx.add.f32.msk $0xffff, v3  }
0xe4: {  	[tilespmem:v19+s3+$0x0] =	vst.idx.add.f32.msk $0xffff, v4  }
0xe5: {  	[tilespmem:v20+s3+$0x0] =	vst.idx.add.f32.msk $0xffff, v5  }
0xe6: {  	[tilespmem:v21+s3+$0x0] =	vst.idx.add.f32.msk $0xffff, v6  }
0xe7: {  	[tilespmem:v22+s3+$0x0] =	vst.idx.add.f32.msk $0xffff, v7  }
0xe8: {  	[tilespmem:v29+s3+$0x0] =	vst.idx.add.f32.msk $0xffff, v1  }
0xe9: {  	[tilespmem:v62+s3+$0x0] =	vst.idx.add.f32.msk $0xffff, v8  }
0xea: {  	[tilespmem:v63+s3+$0x0] =	vst.idx.add.f32.msk $0xffff, v9  }
0xeb: {  	[tilespmem:v23+s3+$0x0] =	vst.idx.add.f32.msk $0xffff, v10  }
0xec: {  	[tilespmem:v24+s3+$0x0] =	vst.idx.add.f32.msk $0xffff, v11  }
0xed: {  	[tilespmem:v25+s3+$0x0] =	vst.idx.add.f32.msk $0xffff, v12  }
0xee: {  	[tilespmem:v26+s3+$0x0] =	vst.idx.add.f32.msk $0xffff, v13  }
0xef: {  	[tilespmem:v27+s3+$0x0] =	vst.idx.add.f32.msk $0xffff, v14  }
0xf0: {  	s26 =	simm.s32 $0x1C670;
	s28 =	smov.u32 s23;
	s25 =	simm.s32 $0x0;
	[tilespmem:v28+s3+$0x0] =	vst.idx.add.f32.msk $0xffff, v30  }
.LBB2_18:
0xf1: {  	v1 =	vld [tilespmem:s26+$0xFFFFFF90]  }
0xf2: {  	v2 =	vld [tilespmem:s26+$0xFFFFFFA0]  }
0xf3: {  	v3 =	vld [tilespmem:s26+$0xFFFFFFB0]  }
0xf4: {  	v4 =	vld [tilespmem:s26+$0xFFFFFFC0]  }
0xf5: {  	v5 =	vld [tilespmem:s26+$0xFFFFFFD0]  }
0xf6: {  	v6 =	vld [tilespmem:s26+$0xFFFFFFE0]  }
0xf7: {  	v7 =	vld [tilespmem:s26+$0xFFFFFFF0]  }
0xf8: {  	v8 =	vld [tilespmem:s26+$0x0]  }
0xf9: {  	v9 =	vld [tilespmem:s26+$0x90]  }
0xfa: {  	v10 =	vld [tilespmem:s26+$0xA0]  }
0xfb: {  	v11 =	vld [tilespmem:s26+$0xB0]  }
0xfc: {  	v12 =	vld [tilespmem:s26+$0xC0]  }
0xfd: {  	v13 =	vld [tilespmem:s26+$0xD0]  }
0xfe: {  	s28 =	sadd.s32 $0x100, s28;
	v14 =	vld [tilespmem:s26+$0xE0]  }
0xff: {  	s25 =	sadd.s32 $0x10, s25;
	v15 =	vld [tilespmem:s28+$0x0]  }
0x100: {  	s24 =	sadd.s32 $0x200, s24;
	p0 =	slt.u32 s25, $0xF0;
	v16 =	vld [tilespmem:s28+$0xFFFFFF20]  }
0x101: {  	s29 =	sadd.s32 $0xFFFFFFE0, s24;
	s30 =	sor.u32 $0x70, s24;
	v17 =	vld [tilespmem:s28+$0xFFFFFF30]  }
0x102: {  	s29 =	sor.u32 $0x60, s29;
	v18 =	vld [tilespmem:s30+$0x1C380]  }
0x103: {  	v19 =	vld [tilespmem:s28+$0xFFFFFF40]  }
0x104: {  	v20 =	vld [tilespmem:s28+$0xFFFFFF50]  }
0x105: {  	v21 =	vld [tilespmem:s28+$0xFFFFFF60]  }
0x106: {  	v22 =	vld [tilespmem:s28+$0xFFFFFF70]  }
0x107: {  	[tilespmem:v15+s3+$0x0] =	vst.idx.add.f32.msk $0xffff, v18  }
0x108: {  	v15 =	vld [tilespmem:s28+$0xFFFFFF80]  }
0x109: {  	v18 =	vld [tilespmem:s28+$0xFFFFFF90]  }
0x10a: {  	v23 =	vld [tilespmem:s28+$0xFFFFFFA0]  }
0x10b: {  	v24 =	vld [tilespmem:s28+$0xFFFFFFB0]  }
0x10c: {  	v25 =	vld [tilespmem:s28+$0xFFFFFFC0]  }
0x10d: {  	v26 =	vld [tilespmem:s28+$0xFFFFFFD0]  }
0x10e: {  	v27 =	vld [tilespmem:s28+$0xFFFFFFE0]  }
0x10f: {  	v28 =	vld [tilespmem:s28+$0xFFFFFFF0]  }
0x110: {  	v29 =	vld [tilespmem:s28+$0xFFFFFF10]  }
0x111: {  	v30 =	vld [tilespmem:s29+$0x1C380]  }
0x112: {  	[tilespmem:v16+s3+$0x0] =	vst.idx.add.f32.msk $0xffff, v2  }
0x113: {  	[tilespmem:v17+s3+$0x0] =	vst.idx.add.f32.msk $0xffff, v3  }
0x114: {  	[tilespmem:v19+s3+$0x0] =	vst.idx.add.f32.msk $0xffff, v4  }
0x115: {  	[tilespmem:v20+s3+$0x0] =	vst.idx.add.f32.msk $0xffff, v5  }
0x116: {  	[tilespmem:v21+s3+$0x0] =	vst.idx.add.f32.msk $0xffff, v6  }
0x117: {  	[tilespmem:v22+s3+$0x0] =	vst.idx.add.f32.msk $0xffff, v7  }
0x118: {  	[tilespmem:v29+s3+$0x0] =	vst.idx.add.f32.msk $0xffff, v1  }
0x119: {  	[tilespmem:v15+s3+$0x0] =	vst.idx.add.f32.msk $0xffff, v8  }
0x11a: {  	[tilespmem:v18+s3+$0x0] =	vst.idx.add.f32.msk $0xffff, v9  }
0x11b: {  	[tilespmem:v23+s3+$0x0] =	vst.idx.add.f32.msk $0xffff, v10  }
.Ltmp7:
0x11c: {  	[tilespmem:v24+s3+$0x0] =	vst.idx.add.f32.msk $0xffff, v11;
	(pc) =	sbr.rel @p0 .LBB2_18-.Ltmp7, $4  }
0x11d: {  	[tilespmem:v25+s3+$0x0] =	vst.idx.add.f32.msk $0xffff, v12  }
0x11e: {  	[tilespmem:v26+s3+$0x0] =	vst.idx.add.f32.msk $0xffff, v13  }
0x11f: {  	[tilespmem:v27+s3+$0x0] =	vst.idx.add.f32.msk $0xffff, v14  }
0x120: {  	s26 =	sadd.s32 $0x200, s26;
	[tilespmem:v28+s3+$0x0] =	vst.idx.add.f32.msk $0xffff, v30  }
0x121: {  	s21 =	sadd.s32 $0x1, s21  }
0x122: {  	p0 =	sne.s32 s21, $0x8  }
.Ltmp8:
0x123: {  	_ = 	snop;
	(pc) =	sbr.rel @p0 .LBB2_9-.Ltmp8, $2  }
0x124: {  	_ =	sdelay $0x2  }
0x125: {  	s22 =	sadd.s32 $0x2000, s22;
	s23 =	sadd.s32 $0x2000, s23  }
0x126: {  	s18 =	sadd.s32 s8, s18;
	s17 =	sadd.s32 $0x1, s17  }
0x127: {  	s18 =	sshrl.u32 s18, $0x3;
	p0 =	sne.s32 s17, $0x8  }
.Ltmp9:
0x128: {  	s18 =	sadd.s32 s6, s18;
	(pc) =	sbr.rel @p0 .LBB2_2-.Ltmp9, $4  }
0x129: {  	[hbm4b:s18+s14] =	stream.strided.scatter [tilespmem:s3], [sflag:$0x3], $0xC380, s15, s14, $0x38;
	[tilespmem:$0x1E380] =	vst v63  }
0x12a: {  	_ =	swait.ge [sflag:s11], $0xC380  }
0x12b: {  	[sflag:s11] =	ssyncset.done $0x0  }
0x12c: {  	[sflag:s11] =	ssyncadd.s32 $0xFFFF3C80  }
0x12d: {  	s16 =	sadd.s32 $0x1, s16  }
0x12e: {  	p0 =	sne.s32 s16, s9  }
.Ltmp10:
0x12f: {  	_ = 	snop;
	(pc) =	sbr.rel @p0 .LBB2_1-.Ltmp10, $1  }
0x130: {  	_ =	sdelay $0x3  }
0x131: {  	_ =	sfence.sel $0x180000  }
0x132: {  	[bflag:$0x0] =	sbarrier.arrive $0xFFFF  }
0x133: {  	p0 =	sne.s32 s1, $0x0;
	_ =	strace $0x9000004A  }
0x134: {  	s0 =	sadd.s32 @!p0 $0x100000, s0;
	[bflag:$0x2] =	sbarrier.arrive $0xFFFF  }
0x135: {  	[sflag:s0] =	ssyncadd.tile.s32 @!p0 $0x1;
	_ =	shalt  }
.Lfunc_end2:
_tile_overlayer_lowered:
.L_overlay_start_2:
0x136: {  	(tag) =	ssettag $0x2  }
0x137: {  	s0 =	rddreg [dreg:$0x0];
	s2 =	stileid.u32  }
0x138: {  	s1 =	rddreg [dreg:$0x1];
	p0 =	sne.s32 s2, $0x0  }
0x139: {  	s3 =	rddreg [dreg:$0x2];
	[bflag:$0x3] =	sbarrier.arrive $0xFFFF;
	s2 =	simm.s32 @!p0 $0x1C03  }
0x13a: {  	[timem:s3], [sflag:s2] =	dma.local @!p0 [hbm:s0], s1  }
0x13b: {  	s0 =	simm.s32 @!p0 $0x3  }
0x13c: {  	_ =	swait.ge @!p0 [sflag:s0], s1  }
0x13d: {  	s1 =	ssub.s32 @!p0 $0x0, s1;
	[sflag:s0] =	ssyncset.done @!p0 $0x0  }
0x13e: {  	[sflag:s0] =	ssyncadd.s32 @!p0 s1  }
0x13f: {  	[bflag:$0x3] =	sbarrier.arrive $0xFFFF  }
0x140: {  	_ =	shalt  }

</sc_bundles>
